<compile_context>
chip_gen: v7x
topology: tpu7x:2x2x1
jax: 0.10.2.dev20260603
libtpu: 0.0.44.dev20260713+nightly
codegen_flags: <defaults>
</compile_context>

<pallas_src>
import functools

import jax
import jax.numpy as jnp
from jax import lax
from jax.experimental import pallas as pl
from jax.experimental.pallas import tpu as pltpu
from jax.experimental.pallas import tpu_sc as plsc

N = 10000
E = 160000
D = 128

NC = 2
NS = 16
NW = NC * NS


_EPT = E // NW
_GC = 128
_GN = _EPT // _GC
_GT = _EPT - _GN * _GC

_sc_mesh = plsc.VectorSubcoreMesh(core_axis_name="c", subcore_axis_name="s")


@functools.partial(
    pl.kernel,
    mesh=_sc_mesh,
    out_type=jax.ShapeDtypeStruct((E, D), jnp.float32),
    scratch_types=[
        pltpu.VMEM((_GC,), jnp.int32),
        pltpu.VMEM((_GT,), jnp.int32),
        pltpu.VMEM((_GC, D), jnp.float32),
        pltpu.SemaphoreType.DMA,
    ],
)
def _sc_gather(emb_hbm, idxj_hbm, out_hbm, idx_v, idxt_v, rows_v, sem):
    c = lax.axis_index("c")
    s = lax.axis_index("s")
    wid = s * NC + c
    base = wid * _EPT

    def chunk(k, _):
        b0 = base + k * _GC
        pltpu.sync_copy(idxj_hbm.at[pl.ds(b0, _GC)], idx_v)
        pltpu.async_copy(emb_hbm.at[idx_v], rows_v, sem).wait()
        pltpu.sync_copy(rows_v, out_hbm.at[pl.ds(b0, _GC)])
        return _

    lax.fori_loop(0, _GN, chunk, None)
    b0 = base + _GN * _GC
    pltpu.sync_copy(idxj_hbm.at[pl.ds(b0, _GT)], idxt_v)
    pltpu.async_copy(emb_hbm.at[idxt_v], rows_v.at[pl.ds(0, _GT)], sem).wait()
    pltpu.sync_copy(rows_v.at[pl.ds(0, _GT)], out_hbm.at[pl.ds(b0, _GT)])



_EB = 1000


def _tc_transform_body(aj_ref, f_ref, r_ref, wt_ref, b_ref, w_ref, p0_ref,
                       p1_ref, p2_ref):
    f = f_ref[...]
    w = aj_ref[...] * f
    w_ref[...] = w
    t = jnp.dot(w, wt_ref[...], preferred_element_type=jnp.float32)
    r = r_ref[...]
    rn = jnp.sqrt(jnp.sum(r * r, axis=1, keepdims=True))
    u = r / rn
    bb = b_ref[...]
    p0_ref[...] = u[:, 0:1] * t + bb
    p1_ref[...] = u[:, 1:2] * t + bb
    p2_ref[...] = u[:, 2:3] * t + bb


_tc_transform = pl.pallas_call(
    _tc_transform_body,
    grid=(E // _EB,),
    in_specs=[
        pl.BlockSpec((_EB, D), lambda i: (i, 0)),
        pl.BlockSpec((_EB, 1), lambda i: (i, 0)),
        pl.BlockSpec((_EB, 3), lambda i: (i, 0)),
        pl.BlockSpec((D, D), lambda i: (0, 0)),
        pl.BlockSpec((1, D), lambda i: (0, 0)),
    ],
    out_specs=[
        pl.BlockSpec((_EB, D), lambda i: (i, 0)),
        pl.BlockSpec((_EB, D), lambda i: (i, 0)),
        pl.BlockSpec((_EB, D), lambda i: (i, 0)),
        pl.BlockSpec((_EB, D), lambda i: (i, 0)),
    ],
    out_shape=[jax.ShapeDtypeStruct((E, D), jnp.float32)] * 4,
)



_EPS = E // NS
_SC_ = 80
_SN = _EPS // _SC_

_NR = 624
_NTAIL_BASE = 15 * _NR
_NTAIL = N - _NTAIL_BASE

_CW = 16


def _plane_copy(src, dst, s):
    nb = s * _NR

    @pl.when(s < 15)
    def _():
        pltpu.sync_copy(src.at[pl.ds(nb, _NR)], dst.at[pl.ds(nb, _NR)])

    @pl.when(s == 15)
    def _():
        pltpu.sync_copy(src.at[pl.ds(_NTAIL_BASE, _NTAIL)],
                        dst.at[pl.ds(_NTAIL_BASE, _NTAIL)])


def _accum_loop(idxi_hbm, stream_hbm, acc, bufs, s):
    idx0, idx1, val0, val1, si0, sv0, si1, sv1 = bufs
    eb = s * _EPS

    def fire0(k):
        b0 = eb + k * _SC_
        pltpu.async_copy(idxi_hbm.at[pl.ds(b0, _SC_)], idx0, si0)
        pltpu.async_copy(stream_hbm.at[pl.ds(b0, _SC_)], val0, sv0)

    def fire1(k):
        b0 = eb + k * _SC_
        pltpu.async_copy(idxi_hbm.at[pl.ds(b0, _SC_)], idx1, si1)
        pltpu.async_copy(stream_hbm.at[pl.ds(b0, _SC_)], val1, sv1)

    def drain0():
        pltpu.make_async_copy(idxi_hbm.at[pl.ds(eb, _SC_)], idx0, si0).wait()
        pltpu.make_async_copy(stream_hbm.at[pl.ds(eb, _SC_)], val0, sv0).wait()

    def drain1():
        pltpu.make_async_copy(idxi_hbm.at[pl.ds(eb, _SC_)], idx1, si1).wait()
        pltpu.make_async_copy(stream_hbm.at[pl.ds(eb, _SC_)], val1, sv1).wait()

    fire0(0)
    fire1(1)

    def body(g, carry):
        drain0()
        pltpu.sync_copy(val0, acc.at[idx0], add=True)
        fire0(2 * g + 2)
        drain1()
        pltpu.sync_copy(val1, acc.at[idx1], add=True)

        @pl.when(g < (_SN - 3) // 2)
        def _():
            fire1(2 * g + 3)

        return carry

    lax.fori_loop(0, (_SN - 1) // 2, body, None)
    drain0()
    pltpu.sync_copy(val0, acc.at[idx0], add=True)


@functools.partial(
    pl.kernel,
    mesh=_sc_mesh,
    out_type=(
        jax.ShapeDtypeStruct((N, D), jnp.float32),
        jax.ShapeDtypeStruct((N, D), jnp.float32),
        jax.ShapeDtypeStruct((N, D), jnp.float32),
        jax.ShapeDtypeStruct((N, D), jnp.float32),
    ),
    scratch_types=[
        pltpu.VMEM((_SC_,), jnp.int32),
        pltpu.VMEM((_SC_,), jnp.int32),
        pltpu.VMEM((_SC_, D), jnp.float32),
        pltpu.VMEM((_SC_, D), jnp.float32),
        pltpu.SemaphoreType.DMA,
        pltpu.SemaphoreType.DMA,
        pltpu.SemaphoreType.DMA,
        pltpu.SemaphoreType.DMA,
        pltpu.VMEM_SHARED((N, D), jnp.float32),
    ],
)
def _sc_scatter(w_hbm, p0_hbm, p1_hbm, p2_hbm, idxi_hbm, zeros_hbm,
                radial_hbm, s0_hbm, s1_hbm, s2_hbm, idx0, idx1, val0, val1,
                si0, sv0, si1, sv1, acc):
    c = lax.axis_index("c")
    s = lax.axis_index("s")
    bufs = (idx0, idx1, val0, val1, si0, sv0, si1, sv1)

    plan = [((w_hbm, radial_hbm), (p0_hbm, s0_hbm)),
            ((p1_hbm, s1_hbm), (p2_hbm, s2_hbm))]

    for (st0, out0), (st1, out1) in plan:
        _plane_copy(zeros_hbm, acc, s)
        plsc.subcore_barrier()

        @pl.when(c == 0)
        def _():
            _accum_loop(idxi_hbm, st0, acc, bufs, s)

        @pl.when(c == 1)
        def _():
            _accum_loop(idxi_hbm, st1, acc, bufs, s)

        plsc.subcore_barrier()

        @pl.when(c == 0)
        def _():
            _plane_copy(acc, out0, s)

        @pl.when(c == 1)
        def _():
            _plane_copy(acc, out1, s)

        plsc.subcore_barrier()



_NB = 1000


def _tc_final_body(rad_ref, s0_ref, s1_ref, s2_ref, out_ref):
    v0 = s0_ref[...]
    v1 = s1_ref[...]
    v2 = s2_ref[...]
    out_ref[:, 0:D] = jnp.sqrt(v0 * v0 + v1 * v1 + v2 * v2)
    out_ref[:, D:2 * D] = rad_ref[...]


_tc_final = pl.pallas_call(
    _tc_final_body,
    grid=(N // _NB,),
    in_specs=[
        pl.BlockSpec((_NB, D), lambda i: (i, 0)),
        pl.BlockSpec((_NB, D), lambda i: (i, 0)),
        pl.BlockSpec((_NB, D), lambda i: (i, 0)),
        pl.BlockSpec((_NB, D), lambda i: (i, 0)),
    ],
    out_specs=pl.BlockSpec((_NB, 2 * D), lambda i: (i, 0)),
    out_shape=jax.ShapeDtypeStruct((N, 2 * D), jnp.float32),
)


def kernel(atomic_embedding, pairlist, f_ij_cutoff, r_ij, W, b):
    idx_i = pairlist[0]
    idx_j = pairlist[1]
    a_j = _sc_gather(atomic_embedding, idx_j)
    w, p0, p1, p2 = _tc_transform(a_j, f_ij_cutoff, r_ij, W.T,
                                  b.reshape(1, D))
    zeros = jnp.zeros((N, D), jnp.float32)
    radial, s0, s1, s2 = _sc_scatter(w, p0, p1, p2, idx_i, zeros)
    return _tc_final(radial, s0, s1, s2)

# --- scband reference (transcript-rebuilt; emitter-appended) ---
"""Pipeline reference for scband-aimnet2-interaction-module-77223511982115 (READ-ONLY COPY).

The authoritative reference and input builder live on the scoring server;
editing this copy changes nothing except your own understanding.
"""

import jax, jax.numpy as jnp
import numpy as np


def setup_inputs(seed: int = 0) -> dict:
    key = jax.random.key(seed)
    k1, k2, k3, k4, k5, k6 = jax.random.split(key, 6)
    N, E, D = 10000, 160000, 128
    atomic_embedding = jax.random.normal(k1, (N, D), dtype=jnp.float32)
    pairlist = jax.random.randint(k2, (2, E), 0, N, dtype=jnp.int32)
    f_ij_cutoff = jax.random.uniform(k3, (E, 1), dtype=jnp.float32)
    r_ij = jax.random.normal(k4, (E, 3), dtype=jnp.float32)
    # nn.Linear(D, D): weight [out, in], bias [out]
    W = (jax.random.uniform(k5, (D, D), dtype=jnp.float32) * 2.0 - 1.0) / jnp.sqrt(D)
    b = (jax.random.uniform(k6, (D,), dtype=jnp.float32) * 2.0 - 1.0) / jnp.sqrt(D)
    return {"atomic_embedding": atomic_embedding, "pairlist": pairlist,
            "f_ij_cutoff": f_ij_cutoff, "r_ij": r_ij, "W": W, "b": b}


def reference(atomic_embedding, pairlist, f_ij_cutoff, r_ij, W, b):
    idx_i, idx_j = pairlist[0], pairlist[1]
    # gather neighbor embeddings
    a_j = atomic_embedding[idx_j]                      # [E, D]
    weighted_embeddings = f_ij_cutoff * a_j            # [E, D]
    # scatter-add radial contributions (index_add_)
    radial_contributions = jnp.zeros_like(atomic_embedding).at[idx_i].add(weighted_embeddings)
    # unit direction vectors
    r_ij_norm = jnp.linalg.norm(r_ij, axis=1, keepdims=True)
    u_ij = r_ij / r_ij_norm                            # [E, 3]
    # outer product: [E, 3, D]
    u_weighted_embeddings = u_ij[:, :, None] * weighted_embeddings[:, None, :]
    flat = u_weighted_embeddings.reshape(-1, u_weighted_embeddings.shape[-1])
    transformed_flat = flat @ W.T + b
    transformed = transformed_flat.reshape(u_weighted_embeddings.shape)  # [E, 3, D]
    # scatter-add vector contributions
    N, D = atomic_embedding.shape
    vector_contributions = jnp.zeros((N, 3, D), dtype=atomic_embedding.dtype).at[idx_i].add(transformed)
    vector_norms = jnp.linalg.norm(vector_contributions, axis=1)  # [N, D]
    combined_message = jnp.concatenate([vector_norms, radial_contributions], axis=-1)  # [N, 2D]
    return combined_message

if __name__ == "__main__":
    import jax
    _d = setup_inputs()
    print(jax.jit(kernel)(*tuple(_d.values())))

</pallas_src>

<mosaic_0001>
#map = affine_map<(d0, d1) -> (0, 0)>
#map1 = affine_map<(d0, d1) -> (0)>
module attributes {stable_mosaic.version = 14 : i64} {
  func.func @_sc_gather(%arg0: i32, %arg1: i32, %arg2: memref<10000x128xf32, #tpu.memory_space<hbm>>, %arg3: memref<160000xi32, #tpu.memory_space<hbm>>, %arg4: memref<160000x128xf32, #tpu.memory_space<hbm>>, %arg5: memref<128xi32, #tpu.memory_space<vmem>>, %arg6: memref<8xi32, #tpu.memory_space<vmem>>, %arg7: memref<128x128xf32, #tpu.memory_space<vmem>>, %arg8: memref<!tpu.dma_semaphore, #tpu.memory_space<semaphore_mem>>) attributes {dimension_semantics = [#tpu.dimension_semantics<core_parallel>, #tpu.dimension_semantics<subcore_parallel>], iteration_bounds = array<i64: 2, 16>, scalar_prefetch = 0 : i64, scratch_operands = 4 : i64, tpu.core_type = #tpu.core_type<sc_vector_subcore>, window_params = [{transform_indices = #map}, {transform_indices = #map1}, {transform_indices = #map}]} {
    %mul3A = arith.constant 2 : i32
    %mul3A_0 = arith.muli %arg1, %mul3A : i32
    %add3A = arith.addi %mul3A_0, %arg0 : i32
    %mul3A_1 = arith.constant 5000 : i32
    %mul3A_2 = arith.muli %add3A, %mul3A_1 : i32
    %scan3A = arith.constant 0 : i32
    %scan3A_3 = arith.constant 39 : i32
    %scan3A_4 = arith.addi %scan3A, %scan3A_3 : i32
    %scan3A_5 = arith.constant 1 : i32
    scf.for %scan3A_19 = %scan3A to %scan3A_4 step %scan3A_5  : i32 {
      %mul3A_20 = arith.constant 128 : i32
      %mul3A_21 = arith.muli %scan3A_19, %mul3A_20 : i32
      %add3A_22 = arith.addi %mul3A_2, %mul3A_21 : i32
      "tpu.region"() ({
        %run_scoped3A = tpu.sem_alloc : memref<!tpu.dma_semaphore, #tpu.memory_space<semaphore_mem>>
        %dma_start3A_29 = tpu.memref_slice %arg3[%add3A_22] : memref<160000xi32, #tpu.memory_space<hbm>> -> memref<128xi32, #tpu.memory_space<hbm>>
        %dma_start3A_30 = tpu.memref_slice %arg3[%add3A_22] : memref<160000xi32, #tpu.memory_space<hbm>> -> memref<128xi32, #tpu.memory_space<hbm>>
        tpu.enqueue_dma source(%dma_start3A_30 : memref<128xi32, #tpu.memory_space<hbm>>) target(%arg5 : memref<128xi32, #tpu.memory_space<vmem>>) target_semaphore(%run_scoped3A : memref<!tpu.dma_semaphore, #tpu.memory_space<semaphore_mem>>)
        %dma_wait3A_31 = tpu.memref_slice %arg3[%add3A_22] : memref<160000xi32, #tpu.memory_space<hbm>> -> memref<128xi32, #tpu.memory_space<hbm>>
        %dma_wait3A_32 = tpu.memref_slice %arg3[%add3A_22] : memref<160000xi32, #tpu.memory_space<hbm>> -> memref<128xi32, #tpu.memory_space<hbm>>
        tpu.wait_dma2 semaphore(%run_scoped3A : memref<!tpu.dma_semaphore, #tpu.memory_space<semaphore_mem>>) src(%dma_wait3A_32 : memref<128xi32, #tpu.memory_space<hbm>>) dst(%arg5 : memref<128xi32, #tpu.memory_space<vmem>>)
        tpu.yield
      }) : () -> ()
      %dma_start3A_23 = arith.constant 0 : i32
      %dma_start3A_24 = arith.constant 0 : i32
      %dma_start3A_25 = tpu.memref_slice %arg2[%dma_start3A_23, %dma_start3A_24] : memref<10000x128xf32, #tpu.memory_space<hbm>> -> memref<10000x128xf32, #tpu.memory_space<hbm>>
      tpu.enqueue_indirect_dma source(%dma_start3A_25 : memref<10000x128xf32, #tpu.memory_space<hbm>>) target(%arg7 : memref<128x128xf32, #tpu.memory_space<vmem>>) offsets(%arg5 : memref<128xi32, #tpu.memory_space<vmem>>) semaphore(%arg8 : memref<!tpu.dma_semaphore, #tpu.memory_space<semaphore_mem>>)
      %dma_wait3A_26 = arith.constant 0 : i32
      %dma_wait3A_27 = arith.constant 0 : i32
      %dma_wait3A_28 = tpu.memref_slice %arg2[%dma_wait3A_26, %dma_wait3A_27] : memref<10000x128xf32, #tpu.memory_space<hbm>> -> memref<10000x128xf32, #tpu.memory_space<hbm>>
      tpu.wait_indirect_dma semaphore(%arg8 : memref<!tpu.dma_semaphore, #tpu.memory_space<semaphore_mem>>) src(%dma_wait3A_28 : memref<10000x128xf32, #tpu.memory_space<hbm>>) dst(%arg7 : memref<128x128xf32, #tpu.memory_space<vmem>>)
      "tpu.region"() ({
        %run_scoped3A = tpu.sem_alloc : memref<!tpu.dma_semaphore, #tpu.memory_space<semaphore_mem>>
        %dma_start3A_29 = arith.constant 0 : i32
        %dma_start3A_30 = tpu.memref_slice %arg4[%add3A_22, %dma_start3A_29] : memref<160000x128xf32, #tpu.memory_space<hbm>> -> memref<128x128xf32, #tpu.memory_space<hbm>>
        %dma_start3A_31 = arith.constant 0 : i32
        %dma_start3A_32 = tpu.memref_slice %arg4[%add3A_22, %dma_start3A_31] : memref<160000x128xf32, #tpu.memory_space<hbm>> -> memref<128x128xf32, #tpu.memory_space<hbm>>
        tpu.enqueue_dma source(%arg7 : memref<128x128xf32, #tpu.memory_space<vmem>>) target(%dma_start3A_32 : memref<128x128xf32, #tpu.memory_space<hbm>>) target_semaphore(%run_scoped3A : memref<!tpu.dma_semaphore, #tpu.memory_space<semaphore_mem>>)
        %dma_wait3A_33 = arith.constant 0 : i32
        %dma_wait3A_34 = tpu.memref_slice %arg4[%add3A_22, %dma_wait3A_33] : memref<160000x128xf32, #tpu.memory_space<hbm>> -> memref<128x128xf32, #tpu.memory_space<hbm>>
        %dma_wait3A_35 = arith.constant 0 : i32
        %dma_wait3A_36 = tpu.memref_slice %arg4[%add3A_22, %dma_wait3A_35] : memref<160000x128xf32, #tpu.memory_space<hbm>> -> memref<128x128xf32, #tpu.memory_space<hbm>>
        tpu.wait_dma2 semaphore(%run_scoped3A : memref<!tpu.dma_semaphore, #tpu.memory_space<semaphore_mem>>) src(%arg7 : memref<128x128xf32, #tpu.memory_space<vmem>>) dst(%dma_wait3A_36 : memref<128x128xf32, #tpu.memory_space<hbm>>)
        tpu.yield
      }) : () -> ()
    }
    %scan3A_6 = arith.constant 39 : i32
    %add3A_7 = arith.constant 4992 : i32
    %add3A_8 = arith.addi %mul3A_2, %add3A_7 : i32
    "tpu.region"() ({
      %run_scoped3A = tpu.sem_alloc : memref<!tpu.dma_semaphore, #tpu.memory_space<semaphore_mem>>
      %dma_start3A_19 = tpu.memref_slice %arg3[%add3A_8] : memref<160000xi32, #tpu.memory_space<hbm>> -> memref<8xi32, #tpu.memory_space<hbm>>
      %dma_start3A_20 = tpu.memref_slice %arg3[%add3A_8] : memref<160000xi32, #tpu.memory_space<hbm>> -> memref<8xi32, #tpu.memory_space<hbm>>
      tpu.enqueue_dma source(%dma_start3A_20 : memref<8xi32, #tpu.memory_space<hbm>>) target(%arg6 : memref<8xi32, #tpu.memory_space<vmem>>) target_semaphore(%run_scoped3A : memref<!tpu.dma_semaphore, #tpu.memory_space<semaphore_mem>>)
      %dma_wait3A_21 = tpu.memref_slice %arg3[%add3A_8] : memref<160000xi32, #tpu.memory_space<hbm>> -> memref<8xi32, #tpu.memory_space<hbm>>
      %dma_wait3A_22 = tpu.memref_slice %arg3[%add3A_8] : memref<160000xi32, #tpu.memory_space<hbm>> -> memref<8xi32, #tpu.memory_space<hbm>>
      tpu.wait_dma2 semaphore(%run_scoped3A : memref<!tpu.dma_semaphore, #tpu.memory_space<semaphore_mem>>) src(%dma_wait3A_22 : memref<8xi32, #tpu.memory_space<hbm>>) dst(%arg6 : memref<8xi32, #tpu.memory_space<vmem>>)
      tpu.yield
    }) : () -> ()
    %dma_start3A = arith.constant 0 : i32
    %dma_start3A_9 = arith.constant 0 : i32
    %dma_start3A_10 = tpu.memref_slice %arg7[%dma_start3A, %dma_start3A_9] : memref<128x128xf32, #tpu.memory_space<vmem>> -> memref<8x128xf32, #tpu.memory_space<vmem>>
    %dma_start3A_11 = arith.constant 0 : i32
    %dma_start3A_12 = arith.constant 0 : i32
    %dma_start3A_13 = tpu.memref_slice %arg2[%dma_start3A_11, %dma_start3A_12] : memref<10000x128xf32, #tpu.memory_space<hbm>> -> memref<10000x128xf32, #tpu.memory_space<hbm>>
    tpu.enqueue_indirect_dma source(%dma_start3A_13 : memref<10000x128xf32, #tpu.memory_space<hbm>>) target(%dma_start3A_10 : memref<8x128xf32, #tpu.memory_space<vmem>>) offsets(%arg6 : memref<8xi32, #tpu.memory_space<vmem>>) semaphore(%arg8 : memref<!tpu.dma_semaphore, #tpu.memory_space<semaphore_mem>>)
    %dma_wait3A = arith.constant 0 : i32
    %dma_wait3A_14 = arith.constant 0 : i32
    %dma_wait3A_15 = tpu.memref_slice %arg7[%dma_wait3A, %dma_wait3A_14] : memref<128x128xf32, #tpu.memory_space<vmem>> -> memref<8x128xf32, #tpu.memory_space<vmem>>
    %dma_wait3A_16 = arith.constant 0 : i32
    %dma_wait3A_17 = arith.constant 0 : i32
    %dma_wait3A_18 = tpu.memref_slice %arg2[%dma_wait3A_16, %dma_wait3A_17] : memref<10000x128xf32, #tpu.memory_space<hbm>> -> memref<10000x128xf32, #tpu.memory_space<hbm>>
    tpu.wait_indirect_dma semaphore(%arg8 : memref<!tpu.dma_semaphore, #tpu.memory_space<semaphore_mem>>) src(%dma_wait3A_18 : memref<10000x128xf32, #tpu.memory_space<hbm>>) dst(%dma_wait3A_15 : memref<8x128xf32, #tpu.memory_space<vmem>>)
    "tpu.region"() ({
      %run_scoped3A = tpu.sem_alloc : memref<!tpu.dma_semaphore, #tpu.memory_space<semaphore_mem>>
      %dma_start3A_19 = arith.constant 0 : i32
      %dma_start3A_20 = arith.constant 0 : i32
      %dma_start3A_21 = tpu.memref_slice %arg7[%dma_start3A_19, %dma_start3A_20] : memref<128x128xf32, #tpu.memory_space<vmem>> -> memref<8x128xf32, #tpu.memory_space<vmem>>
      %dma_start3A_22 = arith.constant 0 : i32
      %dma_start3A_23 = tpu.memref_slice %arg4[%add3A_8, %dma_start3A_22] : memref<160000x128xf32, #tpu.memory_space<hbm>> -> memref<8x128xf32, #tpu.memory_space<hbm>>
      %dma_start3A_24 = arith.constant 0 : i32
      %dma_start3A_25 = tpu.memref_slice %arg4[%add3A_8, %dma_start3A_24] : memref<160000x128xf32, #tpu.memory_space<hbm>> -> memref<8x128xf32, #tpu.memory_space<hbm>>
      %dma_start3A_26 = arith.constant 0 : i32
      %dma_start3A_27 = arith.constant 0 : i32
      %dma_start3A_28 = tpu.memref_slice %arg7[%dma_start3A_26, %dma_start3A_27] : memref<128x128xf32, #tpu.memory_space<vmem>> -> memref<8x128xf32, #tpu.memory_space<vmem>>
      tpu.enqueue_dma source(%dma_start3A_28 : memref<8x128xf32, #tpu.memory_space<vmem>>) target(%dma_start3A_25 : memref<8x128xf32, #tpu.memory_space<hbm>>) target_semaphore(%run_scoped3A : memref<!tpu.dma_semaphore, #tpu.memory_space<semaphore_mem>>)
      %dma_wait3A_29 = arith.constant 0 : i32
      %dma_wait3A_30 = arith.constant 0 : i32
      %dma_wait3A_31 = tpu.memref_slice %arg7[%dma_wait3A_29, %dma_wait3A_30] : memref<128x128xf32, #tpu.memory_space<vmem>> -> memref<8x128xf32, #tpu.memory_space<vmem>>
      %dma_wait3A_32 = arith.constant 0 : i32
      %dma_wait3A_33 = tpu.memref_slice %arg4[%add3A_8, %dma_wait3A_32] : memref<160000x128xf32, #tpu.memory_space<hbm>> -> memref<8x128xf32, #tpu.memory_space<hbm>>
      %dma_wait3A_34 = arith.constant 0 : i32
      %dma_wait3A_35 = tpu.memref_slice %arg4[%add3A_8, %dma_wait3A_34] : memref<160000x128xf32, #tpu.memory_space<hbm>> -> memref<8x128xf32, #tpu.memory_space<hbm>>
      %dma_wait3A_36 = arith.constant 0 : i32
      %dma_wait3A_37 = arith.constant 0 : i32
      %dma_wait3A_38 = tpu.memref_slice %arg7[%dma_wait3A_36, %dma_wait3A_37] : memref<128x128xf32, #tpu.memory_space<vmem>> -> memref<8x128xf32, #tpu.memory_space<vmem>>
      tpu.wait_dma2 semaphore(%run_scoped3A : memref<!tpu.dma_semaphore, #tpu.memory_space<semaphore_mem>>) src(%dma_wait3A_38 : memref<8x128xf32, #tpu.memory_space<vmem>>) dst(%dma_wait3A_35 : memref<8x128xf32, #tpu.memory_space<hbm>>)
      tpu.yield
    }) : () -> ()
    return
  }
}

#map = affine_map<(d0, d1) -> (0, 0)>
#map1 = affine_map<(d0, d1) -> (0)>
module attributes {stable_mosaic.version = 14 : i64} {
  func.func @_sc_scatter(%arg0: i32, %arg1: i32, %arg2: memref<160000x128xf32, #tpu.memory_space<hbm>>, %arg3: memref<160000x128xf32, #tpu.memory_space<hbm>>, %arg4: memref<160000x128xf32, #tpu.memory_space<hbm>>, %arg5: memref<160000x128xf32, #tpu.memory_space<hbm>>, %arg6: memref<160000xi32, #tpu.memory_space<hbm>>, %arg7: memref<10000x128xf32, #tpu.memory_space<hbm>>, %arg8: memref<10000x128xf32, #tpu.memory_space<hbm>>, %arg9: memref<10000x128xf32, #tpu.memory_space<hbm>>, %arg10: memref<10000x128xf32, #tpu.memory_space<hbm>>, %arg11: memref<10000x128xf32, #tpu.memory_space<hbm>>, %arg12: memref<80xi32, #tpu.memory_space<vmem>>, %arg13: memref<80xi32, #tpu.memory_space<vmem>>, %arg14: memref<80x128xf32, #tpu.memory_space<vmem>>, %arg15: memref<80x128xf32, #tpu.memory_space<vmem>>, %arg16: memref<!tpu.dma_semaphore, #tpu.memory_space<semaphore_mem>>, %arg17: memref<!tpu.dma_semaphore, #tpu.memory_space<semaphore_mem>>, %arg18: memref<!tpu.dma_semaphore, #tpu.memory_space<semaphore_mem>>, %arg19: memref<!tpu.dma_semaphore, #tpu.memory_space<semaphore_mem>>, %arg20: memref<10000x128xf32, #tpu.memory_space<vmem_shared>>) attributes {dimension_semantics = [#tpu.dimension_semantics<core_parallel>, #tpu.dimension_semantics<subcore_parallel>], iteration_bounds = array<i64: 2, 16>, scalar_prefetch = 0 : i64, scratch_operands = 9 : i64, tpu.core_type = #tpu.core_type<sc_vector_subcore>, window_params = [{transform_indices = #map}, {transform_indices = #map}, {transform_indices = #map}, {transform_indices = #map}, {transform_indices = #map1}, {transform_indices = #map}, {transform_indices = #map}, {transform_indices = #map}, {transform_indices = #map}, {transform_indices = #map}]} {
    %mul3A = arith.constant 624 : i32
    %mul3A_0 = arith.muli %arg1, %mul3A : i32
    %lt3A = arith.constant 15 : i32
    %lt3A_1 = arith.cmpi slt, %arg1, %lt3A : i32
    %convert_element_type3A = arith.extui %lt3A_1 : i1 to i32
    %cond3A = arith.constant 0 : i32
    %cond3A_2 = arith.cmpi ne, %convert_element_type3A, %cond3A : i32
    scf.if %cond3A_2 {
      "tpu.region"() ({
        %run_scoped3A = tpu.sem_alloc : memref<!tpu.dma_semaphore, #tpu.memory_space<semaphore_mem>>
        %dma_start3A = arith.constant 0 : i32
        %dma_start3A_64 = tpu.memref_slice %arg20[%mul3A_0, %dma_start3A] : memref<10000x128xf32, #tpu.memory_space<vmem_shared>> -> memref<624x128xf32, #tpu.memory_space<vmem_shared>>
        %dma_start3A_65 = arith.constant 0 : i32
        %dma_start3A_66 = tpu.memref_slice %arg7[%mul3A_0, %dma_start3A_65] : memref<10000x128xf32, #tpu.memory_space<hbm>> -> memref<624x128xf32, #tpu.memory_space<hbm>>
        tpu.enqueue_dma source(%dma_start3A_66 : memref<624x128xf32, #tpu.memory_space<hbm>>) target(%dma_start3A_64 : memref<624x128xf32, #tpu.memory_space<vmem_shared>>) target_semaphore(%run_scoped3A : memref<!tpu.dma_semaphore, #tpu.memory_space<semaphore_mem>>)
        %dma_wait3A = arith.constant 0 : i32
        %dma_wait3A_67 = tpu.memref_slice %arg20[%mul3A_0, %dma_wait3A] : memref<10000x128xf32, #tpu.memory_space<vmem_shared>> -> memref<624x128xf32, #tpu.memory_space<vmem_shared>>
        %dma_wait3A_68 = arith.constant 0 : i32
        %dma_wait3A_69 = tpu.memref_slice %arg7[%mul3A_0, %dma_wait3A_68] : memref<10000x128xf32, #tpu.memory_space<hbm>> -> memref<624x128xf32, #tpu.memory_space<hbm>>
        tpu.wait_dma2 semaphore(%run_scoped3A : memref<!tpu.dma_semaphore, #tpu.memory_space<semaphore_mem>>) src(%dma_wait3A_69 : memref<624x128xf32, #tpu.memory_space<hbm>>) dst(%dma_wait3A_67 : memref<624x128xf32, #tpu.memory_space<vmem_shared>>)
        tpu.yield
      }) : () -> ()
    } else {
    }
    %eq3A = arith.constant 15 : i32
    %eq3A_3 = arith.cmpi eq, %arg1, %eq3A : i32
    %convert_element_type3A_4 = arith.extui %eq3A_3 : i1 to i32
    %cond3A_5 = arith.constant 0 : i32
    %cond3A_6 = arith.cmpi ne, %convert_element_type3A_4, %cond3A_5 : i32
    scf.if %cond3A_6 {
      "tpu.region"() ({
        %run_scoped3A = tpu.sem_alloc : memref<!tpu.dma_semaphore, #tpu.memory_space<semaphore_mem>>
        %dma_start3A = arith.constant 9360 : i32
        %dma_start3A_64 = arith.constant 0 : i32
        %dma_start3A_65 = tpu.memref_slice %arg20[%dma_start3A, %dma_start3A_64] : memref<10000x128xf32, #tpu.memory_space<vmem_shared>> -> memref<640x128xf32, #tpu.memory_space<vmem_shared>>
        %dma_start3A_66 = arith.constant 9360 : i32
        %dma_start3A_67 = arith.constant 0 : i32
        %dma_start3A_68 = tpu.memref_slice %arg7[%dma_start3A_66, %dma_start3A_67] : memref<10000x128xf32, #tpu.memory_space<hbm>> -> memref<640x128xf32, #tpu.memory_space<hbm>>
        tpu.enqueue_dma source(%dma_start3A_68 : memref<640x128xf32, #tpu.memory_space<hbm>>) target(%dma_start3A_65 : memref<640x128xf32, #tpu.memory_space<vmem_shared>>) target_semaphore(%run_scoped3A : memref<!tpu.dma_semaphore, #tpu.memory_space<semaphore_mem>>)
        %dma_wait3A = arith.constant 9360 : i32
        %dma_wait3A_69 = arith.constant 0 : i32
        %dma_wait3A_70 = tpu.memref_slice %arg20[%dma_wait3A, %dma_wait3A_69] : memref<10000x128xf32, #tpu.memory_space<vmem_shared>> -> memref<640x128xf32, #tpu.memory_space<vmem_shared>>
        %dma_wait3A_71 = arith.constant 9360 : i32
        %dma_wait3A_72 = arith.constant 0 : i32
        %dma_wait3A_73 = tpu.memref_slice %arg7[%dma_wait3A_71, %dma_wait3A_72] : memref<10000x128xf32, #tpu.memory_space<hbm>> -> memref<640x128xf32, #tpu.memory_space<hbm>>
        tpu.wait_dma2 semaphore(%run_scoped3A : memref<!tpu.dma_semaphore, #tpu.memory_space<semaphore_mem>>) src(%dma_wait3A_73 : memref<640x128xf32, #tpu.memory_space<hbm>>) dst(%dma_wait3A_70 : memref<640x128xf32, #tpu.memory_space<vmem_shared>>)
        tpu.yield
      }) : () -> ()
    } else {
    }
    %barrier3A = arith.constant 0 : index
    tpu.barrier barrier_id(%barrier3A)
    %eq3A_7 = arith.constant 0 : i32
    %eq3A_8 = arith.cmpi eq, %arg0, %eq3A_7 : i32
    %convert_element_type3A_9 = arith.extui %eq3A_8 : i1 to i32
    %cond3A_10 = arith.constant 0 : i32
    %cond3A_11 = arith.cmpi ne, %convert_element_type3A_9, %cond3A_10 : i32
    scf.if %cond3A_11 {
      %mul3A_64 = arith.constant 10000 : i32
      %mul3A_65 = arith.muli %arg1, %mul3A_64 : i32
      %add3A = arith.constant 0 : i32
      %add3A_66 = arith.addi %mul3A_65, %add3A : i32
      %dma_start3A = tpu.memref_slice %arg6[%add3A_66] : memref<160000xi32, #tpu.memory_space<hbm>> -> memref<80xi32, #tpu.memory_space<hbm>>
      %dma_start3A_67 = tpu.memref_slice %arg6[%add3A_66] : memref<160000xi32, #tpu.memory_space<hbm>> -> memref<80xi32, #tpu.memory_space<hbm>>
      tpu.enqueue_dma source(%dma_start3A_67 : memref<80xi32, #tpu.memory_space<hbm>>) target(%arg12 : memref<80xi32, #tpu.memory_space<vmem>>) target_semaphore(%arg16 : memref<!tpu.dma_semaphore, #tpu.memory_space<semaphore_mem>>)
      %dma_start3A_68 = arith.constant 0 : i32
      %dma_start3A_69 = tpu.memref_slice %arg2[%add3A_66, %dma_start3A_68] : memref<160000x128xf32, #tpu.memory_space<hbm>> -> memref<80x128xf32, #tpu.memory_space<hbm>>
      %dma_start3A_70 = arith.constant 0 : i32
      %dma_start3A_71 = tpu.memref_slice %arg2[%add3A_66, %dma_start3A_70] : memref<160000x128xf32, #tpu.memory_space<hbm>> -> memref<80x128xf32, #tpu.memory_space<hbm>>
      tpu.enqueue_dma source(%dma_start3A_71 : memref<80x128xf32, #tpu.memory_space<hbm>>) target(%arg14 : memref<80x128xf32, #tpu.memory_space<vmem>>) target_semaphore(%arg17 : memref<!tpu.dma_semaphore, #tpu.memory_space<semaphore_mem>>)
      %add3A_72 = arith.constant 80 : i32
      %add3A_73 = arith.addi %mul3A_65, %add3A_72 : i32
      %dma_start3A_74 = tpu.memref_slice %arg6[%add3A_73] : memref<160000xi32, #tpu.memory_space<hbm>> -> memref<80xi32, #tpu.memory_space<hbm>>
      %dma_start3A_75 = tpu.memref_slice %arg6[%add3A_73] : memref<160000xi32, #tpu.memory_space<hbm>> -> memref<80xi32, #tpu.memory_space<hbm>>
      tpu.enqueue_dma source(%dma_start3A_75 : memref<80xi32, #tpu.memory_space<hbm>>) target(%arg13 : memref<80xi32, #tpu.memory_space<vmem>>) target_semaphore(%arg18 : memref<!tpu.dma_semaphore, #tpu.memory_space<semaphore_mem>>)
      %dma_start3A_76 = arith.constant 0 : i32
      %dma_start3A_77 = tpu.memref_slice %arg2[%add3A_73, %dma_start3A_76] : memref<160000x128xf32, #tpu.memory_space<hbm>> -> memref<80x128xf32, #tpu.memory_space<hbm>>
      %dma_start3A_78 = arith.constant 0 : i32
      %dma_start3A_79 = tpu.memref_slice %arg2[%add3A_73, %dma_start3A_78] : memref<160000x128xf32, #tpu.memory_space<hbm>> -> memref<80x128xf32, #tpu.memory_space<hbm>>
      tpu.enqueue_dma source(%dma_start3A_79 : memref<80x128xf32, #tpu.memory_space<hbm>>) target(%arg15 : memref<80x128xf32, #tpu.memory_space<vmem>>) target_semaphore(%arg19 : memref<!tpu.dma_semaphore, #tpu.memory_space<semaphore_mem>>)
      %scan3A = arith.constant 0 : i32
      %scan3A_80 = arith.constant 62 : i32
      %scan3A_81 = arith.addi %scan3A, %scan3A_80 : i32
      %scan3A_82 = arith.constant 1 : i32
      scf.for %scan3A_89 = %scan3A to %scan3A_81 step %scan3A_82  : i32 {
        %dma_wait3A_90 = tpu.memref_slice %arg6[%mul3A_65] : memref<160000xi32, #tpu.memory_space<hbm>> -> memref<80xi32, #tpu.memory_space<hbm>>
        %dma_wait3A_91 = tpu.memref_slice %arg6[%mul3A_65] : memref<160000xi32, #tpu.memory_space<hbm>> -> memref<80xi32, #tpu.memory_space<hbm>>
        tpu.wait_dma2 semaphore(%arg16 : memref<!tpu.dma_semaphore, #tpu.memory_space<semaphore_mem>>) src(%dma_wait3A_91 : memref<80xi32, #tpu.memory_space<hbm>>) dst(%arg12 : memref<80xi32, #tpu.memory_space<vmem>>)
        %dma_wait3A_92 = arith.constant 0 : i32
        %dma_wait3A_93 = tpu.memref_slice %arg2[%mul3A_65, %dma_wait3A_92] : memref<160000x128xf32, #tpu.memory_space<hbm>> -> memref<80x128xf32, #tpu.memory_space<hbm>>
        %dma_wait3A_94 = arith.constant 0 : i32
        %dma_wait3A_95 = tpu.memref_slice %arg2[%mul3A_65, %dma_wait3A_94] : memref<160000x128xf32, #tpu.memory_space<hbm>> -> memref<80x128xf32, #tpu.memory_space<hbm>>
        tpu.wait_dma2 semaphore(%arg17 : memref<!tpu.dma_semaphore, #tpu.memory_space<semaphore_mem>>) src(%dma_wait3A_95 : memref<80x128xf32, #tpu.memory_space<hbm>>) dst(%arg14 : memref<80x128xf32, #tpu.memory_space<vmem>>)
        "tpu.region"() ({
          %run_scoped3A = tpu.sem_alloc : memref<!tpu.dma_semaphore, #tpu.memory_space<semaphore_mem>>
          %dma_start3A_120 = arith.constant 0 : i32
          %dma_start3A_121 = arith.constant 0 : i32
          %dma_start3A_122 = tpu.memref_slice %arg20[%dma_start3A_120, %dma_start3A_121] : memref<10000x128xf32, #tpu.memory_space<vmem_shared>> -> memref<10000x128xf32, #tpu.memory_space<vmem_shared>>
          tpu.enqueue_indirect_dma source(%arg14 : memref<80x128xf32, #tpu.memory_space<vmem>>) target(%dma_start3A_122 : memref<10000x128xf32, #tpu.memory_space<vmem_shared>>) offsets(%arg12 : memref<80xi32, #tpu.memory_space<vmem>>) semaphore(%run_scoped3A : memref<!tpu.dma_semaphore, #tpu.memory_space<semaphore_mem>>) {add = true}
          %dma_wait3A_123 = arith.constant 0 : i32
          %dma_wait3A_124 = arith.constant 0 : i32
          %dma_wait3A_125 = tpu.memref_slice %arg20[%dma_wait3A_123, %dma_wait3A_124] : memref<10000x128xf32, #tpu.memory_space<vmem_shared>> -> memref<10000x128xf32, #tpu.memory_space<vmem_shared>>
          tpu.wait_indirect_dma semaphore(%run_scoped3A : memref<!tpu.dma_semaphore, #tpu.memory_space<semaphore_mem>>) src(%arg14 : memref<80x128xf32, #tpu.memory_space<vmem>>) dst(%dma_wait3A_125 : memref<10000x128xf32, #tpu.memory_space<vmem_shared>>)
          tpu.yield
        }) : () -> ()
        %mul3A_96 = arith.constant 2 : i32
        %mul3A_97 = arith.muli %mul3A_96, %scan3A_89 : i32
        %add3A_98 = arith.constant 2 : i32
        %add3A_99 = arith.addi %mul3A_97, %add3A_98 : i32
        %mul3A_100 = arith.constant 80 : i32
        %mul3A_101 = arith.muli %add3A_99, %mul3A_100 : i32
        %add3A_102 = arith.addi %mul3A_65, %mul3A_101 : i32
        %dma_start3A_103 = tpu.memref_slice %arg6[%add3A_102] : memref<160000xi32, #tpu.memory_space<hbm>> -> memref<80xi32, #tpu.memory_space<hbm>>
        %dma_start3A_104 = tpu.memref_slice %arg6[%add3A_102] : memref<160000xi32, #tpu.memory_space<hbm>> -> memref<80xi32, #tpu.memory_space<hbm>>
        tpu.enqueue_dma source(%dma_start3A_104 : memref<80xi32, #tpu.memory_space<hbm>>) target(%arg12 : memref<80xi32, #tpu.memory_space<vmem>>) target_semaphore(%arg16 : memref<!tpu.dma_semaphore, #tpu.memory_space<semaphore_mem>>)
        %dma_start3A_105 = arith.constant 0 : i32
        %dma_start3A_106 = tpu.memref_slice %arg2[%add3A_102, %dma_start3A_105] : memref<160000x128xf32, #tpu.memory_space<hbm>> -> memref<80x128xf32, #tpu.memory_space<hbm>>
        %dma_start3A_107 = arith.constant 0 : i32
        %dma_start3A_108 = tpu.memref_slice %arg2[%add3A_102, %dma_start3A_107] : memref<160000x128xf32, #tpu.memory_space<hbm>> -> memref<80x128xf32, #tpu.memory_space<hbm>>
        tpu.enqueue_dma source(%dma_start3A_108 : memref<80x128xf32, #tpu.memory_space<hbm>>) target(%arg14 : memref<80x128xf32, #tpu.memory_space<vmem>>) target_semaphore(%arg17 : memref<!tpu.dma_semaphore, #tpu.memory_space<semaphore_mem>>)
        %dma_wait3A_109 = tpu.memref_slice %arg6[%mul3A_65] : memref<160000xi32, #tpu.memory_space<hbm>> -> memref<80xi32, #tpu.memory_space<hbm>>
        %dma_wait3A_110 = tpu.memref_slice %arg6[%mul3A_65] : memref<160000xi32, #tpu.memory_space<hbm>> -> memref<80xi32, #tpu.memory_space<hbm>>
        tpu.wait_dma2 semaphore(%arg18 : memref<!tpu.dma_semaphore, #tpu.memory_space<semaphore_mem>>) src(%dma_wait3A_110 : memref<80xi32, #tpu.memory_space<hbm>>) dst(%arg13 : memref<80xi32, #tpu.memory_space<vmem>>)
        %dma_wait3A_111 = arith.constant 0 : i32
        %dma_wait3A_112 = tpu.memref_slice %arg2[%mul3A_65, %dma_wait3A_111] : memref<160000x128xf32, #tpu.memory_space<hbm>> -> memref<80x128xf32, #tpu.memory_space<hbm>>
        %dma_wait3A_113 = arith.constant 0 : i32
        %dma_wait3A_114 = tpu.memref_slice %arg2[%mul3A_65, %dma_wait3A_113] : memref<160000x128xf32, #tpu.memory_space<hbm>> -> memref<80x128xf32, #tpu.memory_space<hbm>>
        tpu.wait_dma2 semaphore(%arg19 : memref<!tpu.dma_semaphore, #tpu.memory_space<semaphore_mem>>) src(%dma_wait3A_114 : memref<80x128xf32, #tpu.memory_space<hbm>>) dst(%arg15 : memref<80x128xf32, #tpu.memory_space<vmem>>)
        "tpu.region"() ({
          %run_scoped3A = tpu.sem_alloc : memref<!tpu.dma_semaphore, #tpu.memory_space<semaphore_mem>>
          %dma_start3A_120 = arith.constant 0 : i32
          %dma_start3A_121 = arith.constant 0 : i32
          %dma_start3A_122 = tpu.memref_slice %arg20[%dma_start3A_120, %dma_start3A_121] : memref<10000x128xf32, #tpu.memory_space<vmem_shared>> -> memref<10000x128xf32, #tpu.memory_space<vmem_shared>>
          tpu.enqueue_indirect_dma source(%arg15 : memref<80x128xf32, #tpu.memory_space<vmem>>) target(%dma_start3A_122 : memref<10000x128xf32, #tpu.memory_space<vmem_shared>>) offsets(%arg13 : memref<80xi32, #tpu.memory_space<vmem>>) semaphore(%run_scoped3A : memref<!tpu.dma_semaphore, #tpu.memory_space<semaphore_mem>>) {add = true}
          %dma_wait3A_123 = arith.constant 0 : i32
          %dma_wait3A_124 = arith.constant 0 : i32
          %dma_wait3A_125 = tpu.memref_slice %arg20[%dma_wait3A_123, %dma_wait3A_124] : memref<10000x128xf32, #tpu.memory_space<vmem_shared>> -> memref<10000x128xf32, #tpu.memory_space<vmem_shared>>
          tpu.wait_indirect_dma semaphore(%run_scoped3A : memref<!tpu.dma_semaphore, #tpu.memory_space<semaphore_mem>>) src(%arg15 : memref<80x128xf32, #tpu.memory_space<vmem>>) dst(%dma_wait3A_125 : memref<10000x128xf32, #tpu.memory_space<vmem_shared>>)
          tpu.yield
        }) : () -> ()
        %lt3A_115 = arith.constant 61 : i32
        %lt3A_116 = arith.cmpi slt, %scan3A_89, %lt3A_115 : i32
        %convert_element_type3A_117 = arith.extui %lt3A_116 : i1 to i32
        %cond3A_118 = arith.constant 0 : i32
        %cond3A_119 = arith.cmpi ne, %convert_element_type3A_117, %cond3A_118 : i32
        scf.if %cond3A_119 {
          %mul3A_120 = arith.constant 2 : i32
          %mul3A_121 = arith.muli %mul3A_120, %scan3A_89 : i32
          %add3A_122 = arith.constant 3 : i32
          %add3A_123 = arith.addi %mul3A_121, %add3A_122 : i32
          %mul3A_124 = arith.constant 80 : i32
          %mul3A_125 = arith.muli %add3A_123, %mul3A_124 : i32
          %add3A_126 = arith.addi %mul3A_65, %mul3A_125 : i32
          %dma_start3A_127 = tpu.memref_slice %arg6[%add3A_126] : memref<160000xi32, #tpu.memory_space<hbm>> -> memref<80xi32, #tpu.memory_space<hbm>>
          %dma_start3A_128 = tpu.memref_slice %arg6[%add3A_126] : memref<160000xi32, #tpu.memory_space<hbm>> -> memref<80xi32, #tpu.memory_space<hbm>>
          tpu.enqueue_dma source(%dma_start3A_128 : memref<80xi32, #tpu.memory_space<hbm>>) target(%arg13 : memref<80xi32, #tpu.memory_space<vmem>>) target_semaphore(%arg18 : memref<!tpu.dma_semaphore, #tpu.memory_space<semaphore_mem>>)
          %dma_start3A_129 = arith.constant 0 : i32
          %dma_start3A_130 = tpu.memref_slice %arg2[%add3A_126, %dma_start3A_129] : memref<160000x128xf32, #tpu.memory_space<hbm>> -> memref<80x128xf32, #tpu.memory_space<hbm>>
          %dma_start3A_131 = arith.constant 0 : i32
          %dma_start3A_132 = tpu.memref_slice %arg2[%add3A_126, %dma_start3A_131] : memref<160000x128xf32, #tpu.memory_space<hbm>> -> memref<80x128xf32, #tpu.memory_space<hbm>>
          tpu.enqueue_dma source(%dma_start3A_132 : memref<80x128xf32, #tpu.memory_space<hbm>>) target(%arg15 : memref<80x128xf32, #tpu.memory_space<vmem>>) target_semaphore(%arg19 : memref<!tpu.dma_semaphore, #tpu.memory_space<semaphore_mem>>)
        } else {
        }
      }
      %scan3A_83 = arith.constant 62 : i32
      %dma_wait3A = tpu.memref_slice %arg6[%mul3A_65] : memref<160000xi32, #tpu.memory_space<hbm>> -> memref<80xi32, #tpu.memory_space<hbm>>
      %dma_wait3A_84 = tpu.memref_slice %arg6[%mul3A_65] : memref<160000xi32, #tpu.memory_space<hbm>> -> memref<80xi32, #tpu.memory_space<hbm>>
      tpu.wait_dma2 semaphore(%arg16 : memref<!tpu.dma_semaphore, #tpu.memory_space<semaphore_mem>>) src(%dma_wait3A_84 : memref<80xi32, #tpu.memory_space<hbm>>) dst(%arg12 : memref<80xi32, #tpu.memory_space<vmem>>)
      %dma_wait3A_85 = arith.constant 0 : i32
      %dma_wait3A_86 = tpu.memref_slice %arg2[%mul3A_65, %dma_wait3A_85] : memref<160000x128xf32, #tpu.memory_space<hbm>> -> memref<80x128xf32, #tpu.memory_space<hbm>>
      %dma_wait3A_87 = arith.constant 0 : i32
      %dma_wait3A_88 = tpu.memref_slice %arg2[%mul3A_65, %dma_wait3A_87] : memref<160000x128xf32, #tpu.memory_space<hbm>> -> memref<80x128xf32, #tpu.memory_space<hbm>>
      tpu.wait_dma2 semaphore(%arg17 : memref<!tpu.dma_semaphore, #tpu.memory_space<semaphore_mem>>) src(%dma_wait3A_88 : memref<80x128xf32, #tpu.memory_space<hbm>>) dst(%arg14 : memref<80x128xf32, #tpu.memory_space<vmem>>)
      "tpu.region"() ({
        %run_scoped3A = tpu.sem_alloc : memref<!tpu.dma_semaphore, #tpu.memory_space<semaphore_mem>>
        %dma_start3A_89 = arith.constant 0 : i32
        %dma_start3A_90 = arith.constant 0 : i32
        %dma_start3A_91 = tpu.memref_slice %arg20[%dma_start3A_89, %dma_start3A_90] : memref<10000x128xf32, #tpu.memory_space<vmem_shared>> -> memref<10000x128xf32, #tpu.memory_space<vmem_shared>>
        tpu.enqueue_indirect_dma source(%arg14 : memref<80x128xf32, #tpu.memory_space<vmem>>) target(%dma_start3A_91 : memref<10000x128xf32, #tpu.memory_space<vmem_shared>>) offsets(%arg12 : memref<80xi32, #tpu.memory_space<vmem>>) semaphore(%run_scoped3A : memref<!tpu.dma_semaphore, #tpu.memory_space<semaphore_mem>>) {add = true}
        %dma_wait3A_92 = arith.constant 0 : i32
        %dma_wait3A_93 = arith.constant 0 : i32
        %dma_wait3A_94 = tpu.memref_slice %arg20[%dma_wait3A_92, %dma_wait3A_93] : memref<10000x128xf32, #tpu.memory_space<vmem_shared>> -> memref<10000x128xf32, #tpu.memory_space<vmem_shared>>
        tpu.wait_indirect_dma semaphore(%run_scoped3A : memref<!tpu.dma_semaphore, #tpu.memory_space<semaphore_mem>>) src(%arg14 : memref<80x128xf32, #tpu.memory_space<vmem>>) dst(%dma_wait3A_94 : memref<10000x128xf32, #tpu.memory_space<vmem_shared>>)
        tpu.yield
      }) : () -> ()
    } else {
    }
    %eq3A_12 = arith.constant 1 : i32
    %eq3A_13 = arith.cmpi eq, %arg0, %eq3A_12 : i32
    %convert_element_type3A_14 = arith.extui %eq3A_13 : i1 to i32
    %cond3A_15 = arith.constant 0 : i32
    %cond3A_16 = arith.cmpi ne, %convert_element_type3A_14, %cond3A_15 : i32
    scf.if %cond3A_16 {
      %mul3A_64 = arith.constant 10000 : i32
      %mul3A_65 = arith.muli %arg1, %mul3A_64 : i32
      %add3A = arith.constant 0 : i32
      %add3A_66 = arith.addi %mul3A_65, %add3A : i32
      %dma_start3A = tpu.memref_slice %arg6[%add3A_66] : memref<160000xi32, #tpu.memory_space<hbm>> -> memref<80xi32, #tpu.memory_space<hbm>>
      %dma_start3A_67 = tpu.memref_slice %arg6[%add3A_66] : memref<160000xi32, #tpu.memory_space<hbm>> -> memref<80xi32, #tpu.memory_space<hbm>>
      tpu.enqueue_dma source(%dma_start3A_67 : memref<80xi32, #tpu.memory_space<hbm>>) target(%arg12 : memref<80xi32, #tpu.memory_space<vmem>>) target_semaphore(%arg16 : memref<!tpu.dma_semaphore, #tpu.memory_space<semaphore_mem>>)
      %dma_start3A_68 = arith.constant 0 : i32
      %dma_start3A_69 = tpu.memref_slice %arg3[%add3A_66, %dma_start3A_68] : memref<160000x128xf32, #tpu.memory_space<hbm>> -> memref<80x128xf32, #tpu.memory_space<hbm>>
      %dma_start3A_70 = arith.constant 0 : i32
      %dma_start3A_71 = tpu.memref_slice %arg3[%add3A_66, %dma_start3A_70] : memref<160000x128xf32, #tpu.memory_space<hbm>> -> memref<80x128xf32, #tpu.memory_space<hbm>>
      tpu.enqueue_dma source(%dma_start3A_71 : memref<80x128xf32, #tpu.memory_space<hbm>>) target(%arg14 : memref<80x128xf32, #tpu.memory_space<vmem>>) target_semaphore(%arg17 : memref<!tpu.dma_semaphore, #tpu.memory_space<semaphore_mem>>)
      %add3A_72 = arith.constant 80 : i32
      %add3A_73 = arith.addi %mul3A_65, %add3A_72 : i32
      %dma_start3A_74 = tpu.memref_slice %arg6[%add3A_73] : memref<160000xi32, #tpu.memory_space<hbm>> -> memref<80xi32, #tpu.memory_space<hbm>>
      %dma_start3A_75 = tpu.memref_slice %arg6[%add3A_73] : memref<160000xi32, #tpu.memory_space<hbm>> -> memref<80xi32, #tpu.memory_space<hbm>>
      tpu.enqueue_dma source(%dma_start3A_75 : memref<80xi32, #tpu.memory_space<hbm>>) target(%arg13 : memref<80xi32, #tpu.memory_space<vmem>>) target_semaphore(%arg18 : memref<!tpu.dma_semaphore, #tpu.memory_space<semaphore_mem>>)
      %dma_start3A_76 = arith.constant 0 : i32
      %dma_start3A_77 = tpu.memref_slice %arg3[%add3A_73, %dma_start3A_76] : memref<160000x128xf32, #tpu.memory_space<hbm>> -> memref<80x128xf32, #tpu.memory_space<hbm>>
      %dma_start3A_78 = arith.constant 0 : i32
      %dma_start3A_79 = tpu.memref_slice %arg3[%add3A_73, %dma_start3A_78] : memref<160000x128xf32, #tpu.memory_space<hbm>> -> memref<80x128xf32, #tpu.memory_space<hbm>>
      tpu.enqueue_dma source(%dma_start3A_79 : memref<80x128xf32, #tpu.memory_space<hbm>>) target(%arg15 : memref<80x128xf32, #tpu.memory_space<vmem>>) target_semaphore(%arg19 : memref<!tpu.dma_semaphore, #tpu.memory_space<semaphore_mem>>)
      %scan3A = arith.constant 0 : i32
      %scan3A_80 = arith.constant 62 : i32
      %scan3A_81 = arith.addi %scan3A, %scan3A_80 : i32
      %scan3A_82 = arith.constant 1 : i32
      scf.for %scan3A_89 = %scan3A to %scan3A_81 step %scan3A_82  : i32 {
        %dma_wait3A_90 = tpu.memref_slice %arg6[%mul3A_65] : memref<160000xi32, #tpu.memory_space<hbm>> -> memref<80xi32, #tpu.memory_space<hbm>>
        %dma_wait3A_91 = tpu.memref_slice %arg6[%mul3A_65] : memref<160000xi32, #tpu.memory_space<hbm>> -> memref<80xi32, #tpu.memory_space<hbm>>
        tpu.wait_dma2 semaphore(%arg16 : memref<!tpu.dma_semaphore, #tpu.memory_space<semaphore_mem>>) src(%dma_wait3A_91 : memref<80xi32, #tpu.memory_space<hbm>>) dst(%arg12 : memref<80xi32, #tpu.memory_space<vmem>>)
        %dma_wait3A_92 = arith.constant 0 : i32
        %dma_wait3A_93 = tpu.memref_slice %arg3[%mul3A_65, %dma_wait3A_92] : memref<160000x128xf32, #tpu.memory_space<hbm>> -> memref<80x128xf32, #tpu.memory_space<hbm>>
        %dma_wait3A_94 = arith.constant 0 : i32
        %dma_wait3A_95 = tpu.memref_slice %arg3[%mul3A_65, %dma_wait3A_94] : memref<160000x128xf32, #tpu.memory_space<hbm>> -> memref<80x128xf32, #tpu.memory_space<hbm>>
        tpu.wait_dma2 semaphore(%arg17 : memref<!tpu.dma_semaphore, #tpu.memory_space<semaphore_mem>>) src(%dma_wait3A_95 : memref<80x128xf32, #tpu.memory_space<hbm>>) dst(%arg14 : memref<80x128xf32, #tpu.memory_space<vmem>>)
        "tpu.region"() ({
          %run_scoped3A = tpu.sem_alloc : memref<!tpu.dma_semaphore, #tpu.memory_space<semaphore_mem>>
          %dma_start3A_120 = arith.constant 0 : i32
          %dma_start3A_121 = arith.constant 0 : i32
          %dma_start3A_122 = tpu.memref_slice %arg20[%dma_start3A_120, %dma_start3A_121] : memref<10000x128xf32, #tpu.memory_space<vmem_shared>> -> memref<10000x128xf32, #tpu.memory_space<vmem_shared>>
          tpu.enqueue_indirect_dma source(%arg14 : memref<80x128xf32, #tpu.memory_space<vmem>>) target(%dma_start3A_122 : memref<10000x128xf32, #tpu.memory_space<vmem_shared>>) offsets(%arg12 : memref<80xi32, #tpu.memory_space<vmem>>) semaphore(%run_scoped3A : memref<!tpu.dma_semaphore, #tpu.memory_space<semaphore_mem>>) {add = true}
          %dma_wait3A_123 = arith.constant 0 : i32
          %dma_wait3A_124 = arith.constant 0 : i32
          %dma_wait3A_125 = tpu.memref_slice %arg20[%dma_wait3A_123, %dma_wait3A_124] : memref<10000x128xf32, #tpu.memory_space<vmem_shared>> -> memref<10000x128xf32, #tpu.memory_space<vmem_shared>>
          tpu.wait_indirect_dma semaphore(%run_scoped3A : memref<!tpu.dma_semaphore, #tpu.memory_space<semaphore_mem>>) src(%arg14 : memref<80x128xf32, #tpu.memory_space<vmem>>) dst(%dma_wait3A_125 : memref<10000x128xf32, #tpu.memory_space<vmem_shared>>)
          tpu.yield
        }) : () -> ()
        %mul3A_96 = arith.constant 2 : i32
        %mul3A_97 = arith.muli %mul3A_96, %scan3A_89 : i32
        %add3A_98 = arith.constant 2 : i32
        %add3A_99 = arith.addi %mul3A_97, %add3A_98 : i32
        %mul3A_100 = arith.constant 80 : i32
        %mul3A_101 = arith.muli %add3A_99, %mul3A_100 : i32
        %add3A_102 = arith.addi %mul3A_65, %mul3A_101 : i32
        %dma_start3A_103 = tpu.memref_slice %arg6[%add3A_102] : memref<160000xi32, #tpu.memory_space<hbm>> -> memref<80xi32, #tpu.memory_space<hbm>>
        %dma_start3A_104 = tpu.memref_slice %arg6[%add3A_102] : memref<160000xi32, #tpu.memory_space<hbm>> -> memref<80xi32, #tpu.memory_space<hbm>>
        tpu.enqueue_dma source(%dma_start3A_104 : memref<80xi32, #tpu.memory_space<hbm>>) target(%arg12 : memref<80xi32, #tpu.memory_space<vmem>>) target_semaphore(%arg16 : memref<!tpu.dma_semaphore, #tpu.memory_space<semaphore_mem>>)
        %dma_start3A_105 = arith.constant 0 : i32
        %dma_start3A_106 = tpu.memref_slice %arg3[%add3A_102, %dma_start3A_105] : memref<160000x128xf32, #tpu.memory_space<hbm>> -> memref<80x128xf32, #tpu.memory_space<hbm>>
        %dma_start3A_107 = arith.constant 0 : i32
        %dma_start3A_108 = tpu.memref_slice %arg3[%add3A_102, %dma_start3A_107] : memref<160000x128xf32, #tpu.memory_space<hbm>> -> memref<80x128xf32, #tpu.memory_space<hbm>>
        tpu.enqueue_dma source(%dma_start3A_108 : memref<80x128xf32, #tpu.memory_space<hbm>>) target(%arg14 : memref<80x128xf32, #tpu.memory_space<vmem>>) target_semaphore(%arg17 : memref<!tpu.dma_semaphore, #tpu.memory_space<semaphore_mem>>)
        %dma_wait3A_109 = tpu.memref_slice %arg6[%mul3A_65] : memref<160000xi32, #tpu.memory_space<hbm>> -> memref<80xi32, #tpu.memory_space<hbm>>
        %dma_wait3A_110 = tpu.memref_slice %arg6[%mul3A_65] : memref<160000xi32, #tpu.memory_space<hbm>> -> memref<80xi32, #tpu.memory_space<hbm>>
        tpu.wait_dma2 semaphore(%arg18 : memref<!tpu.dma_semaphore, #tpu.memory_space<semaphore_mem>>) src(%dma_wait3A_110 : memref<80xi32, #tpu.memory_space<hbm>>) dst(%arg13 : memref<80xi32, #tpu.memory_space<vmem>>)
        %dma_wait3A_111 = arith.constant 0 : i32
        %dma_wait3A_112 = tpu.memref_slice %arg3[%mul3A_65, %dma_wait3A_111] : memref<160000x128xf32, #tpu.memory_space<hbm>> -> memref<80x128xf32, #tpu.memory_space<hbm>>
        %dma_wait3A_113 = arith.constant 0 : i32
        %dma_wait3A_114 = tpu.memref_slice %arg3[%mul3A_65, %dma_wait3A_113] : memref<160000x128xf32, #tpu.memory_space<hbm>> -> memref<80x128xf32, #tpu.memory_space<hbm>>
        tpu.wait_dma2 semaphore(%arg19 : memref<!tpu.dma_semaphore, #tpu.memory_space<semaphore_mem>>) src(%dma_wait3A_114 : memref<80x128xf32, #tpu.memory_space<hbm>>) dst(%arg15 : memref<80x128xf32, #tpu.memory_space<vmem>>)
        "tpu.region"() ({
          %run_scoped3A = tpu.sem_alloc : memref<!tpu.dma_semaphore, #tpu.memory_space<semaphore_mem>>
          %dma_start3A_120 = arith.constant 0 : i32
          %dma_start3A_121 = arith.constant 0 : i32
          %dma_start3A_122 = tpu.memref_slice %arg20[%dma_start3A_120, %dma_start3A_121] : memref<10000x128xf32, #tpu.memory_space<vmem_shared>> -> memref<10000x128xf32, #tpu.memory_space<vmem_shared>>
          tpu.enqueue_indirect_dma source(%arg15 : memref<80x128xf32, #tpu.memory_space<vmem>>) target(%dma_start3A_122 : memref<10000x128xf32, #tpu.memory_space<vmem_shared>>) offsets(%arg13 : memref<80xi32, #tpu.memory_space<vmem>>) semaphore(%run_scoped3A : memref<!tpu.dma_semaphore, #tpu.memory_space<semaphore_mem>>) {add = true}
          %dma_wait3A_123 = arith.constant 0 : i32
          %dma_wait3A_124 = arith.constant 0 : i32
          %dma_wait3A_125 = tpu.memref_slice %arg20[%dma_wait3A_123, %dma_wait3A_124] : memref<10000x128xf32, #tpu.memory_space<vmem_shared>> -> memref<10000x128xf32, #tpu.memory_space<vmem_shared>>
          tpu.wait_indirect_dma semaphore(%run_scoped3A : memref<!tpu.dma_semaphore, #tpu.memory_space<semaphore_mem>>) src(%arg15 : memref<80x128xf32, #tpu.memory_space<vmem>>) dst(%dma_wait3A_125 : memref<10000x128xf32, #tpu.memory_space<vmem_shared>>)
          tpu.yield
        }) : () -> ()
        %lt3A_115 = arith.constant 61 : i32
        %lt3A_116 = arith.cmpi slt, %scan3A_89, %lt3A_115 : i32
        %convert_element_type3A_117 = arith.extui %lt3A_116 : i1 to i32
        %cond3A_118 = arith.constant 0 : i32
        %cond3A_119 = arith.cmpi ne, %convert_element_type3A_117, %cond3A_118 : i32
        scf.if %cond3A_119 {
          %mul3A_120 = arith.constant 2 : i32
          %mul3A_121 = arith.muli %mul3A_120, %scan3A_89 : i32
          %add3A_122 = arith.constant 3 : i32
          %add3A_123 = arith.addi %mul3A_121, %add3A_122 : i32
          %mul3A_124 = arith.constant 80 : i32
          %mul3A_125 = arith.muli %add3A_123, %mul3A_124 : i32
          %add3A_126 = arith.addi %mul3A_65, %mul3A_125 : i32
          %dma_start3A_127 = tpu.memref_slice %arg6[%add3A_126] : memref<160000xi32, #tpu.memory_space<hbm>> -> memref<80xi32, #tpu.memory_space<hbm>>
          %dma_start3A_128 = tpu.memref_slice %arg6[%add3A_126] : memref<160000xi32, #tpu.memory_space<hbm>> -> memref<80xi32, #tpu.memory_space<hbm>>
          tpu.enqueue_dma source(%dma_start3A_128 : memref<80xi32, #tpu.memory_space<hbm>>) target(%arg13 : memref<80xi32, #tpu.memory_space<vmem>>) target_semaphore(%arg18 : memref<!tpu.dma_semaphore, #tpu.memory_space<semaphore_mem>>)
          %dma_start3A_129 = arith.constant 0 : i32
          %dma_start3A_130 = tpu.memref_slice %arg3[%add3A_126, %dma_start3A_129] : memref<160000x128xf32, #tpu.memory_space<hbm>> -> memref<80x128xf32, #tpu.memory_space<hbm>>
          %dma_start3A_131 = arith.constant 0 : i32
          %dma_start3A_132 = tpu.memref_slice %arg3[%add3A_126, %dma_start3A_131] : memref<160000x128xf32, #tpu.memory_space<hbm>> -> memref<80x128xf32, #tpu.memory_space<hbm>>
          tpu.enqueue_dma source(%dma_start3A_132 : memref<80x128xf32, #tpu.memory_space<hbm>>) target(%arg15 : memref<80x128xf32, #tpu.memory_space<vmem>>) target_semaphore(%arg19 : memref<!tpu.dma_semaphore, #tpu.memory_space<semaphore_mem>>)
        } else {
        }
      }
      %scan3A_83 = arith.constant 62 : i32
      %dma_wait3A = tpu.memref_slice %arg6[%mul3A_65] : memref<160000xi32, #tpu.memory_space<hbm>> -> memref<80xi32, #tpu.memory_space<hbm>>
      %dma_wait3A_84 = tpu.memref_slice %arg6[%mul3A_65] : memref<160000xi32, #tpu.memory_space<hbm>> -> memref<80xi32, #tpu.memory_space<hbm>>
      tpu.wait_dma2 semaphore(%arg16 : memref<!tpu.dma_semaphore, #tpu.memory_space<semaphore_mem>>) src(%dma_wait3A_84 : memref<80xi32, #tpu.memory_space<hbm>>) dst(%arg12 : memref<80xi32, #tpu.memory_space<vmem>>)
      %dma_wait3A_85 = arith.constant 0 : i32
      %dma_wait3A_86 = tpu.memref_slice %arg3[%mul3A_65, %dma_wait3A_85] : memref<160000x128xf32, #tpu.memory_space<hbm>> -> memref<80x128xf32, #tpu.memory_space<hbm>>
      %dma_wait3A_87 = arith.constant 0 : i32
      %dma_wait3A_88 = tpu.memref_slice %arg3[%mul3A_65, %dma_wait3A_87] : memref<160000x128xf32, #tpu.memory_space<hbm>> -> memref<80x128xf32, #tpu.memory_space<hbm>>
      tpu.wait_dma2 semaphore(%arg17 : memref<!tpu.dma_semaphore, #tpu.memory_space<semaphore_mem>>) src(%dma_wait3A_88 : memref<80x128xf32, #tpu.memory_space<hbm>>) dst(%arg14 : memref<80x128xf32, #tpu.memory_space<vmem>>)
      "tpu.region"() ({
        %run_scoped3A = tpu.sem_alloc : memref<!tpu.dma_semaphore, #tpu.memory_space<semaphore_mem>>
        %dma_start3A_89 = arith.constant 0 : i32
        %dma_start3A_90 = arith.constant 0 : i32
        %dma_start3A_91 = tpu.memref_slice %arg20[%dma_start3A_89, %dma_start3A_90] : memref<10000x128xf32, #tpu.memory_space<vmem_shared>> -> memref<10000x128xf32, #tpu.memory_space<vmem_shared>>
        tpu.enqueue_indirect_dma source(%arg14 : memref<80x128xf32, #tpu.memory_space<vmem>>) target(%dma_start3A_91 : memref<10000x128xf32, #tpu.memory_space<vmem_shared>>) offsets(%arg12 : memref<80xi32, #tpu.memory_space<vmem>>) semaphore(%run_scoped3A : memref<!tpu.dma_semaphore, #tpu.memory_space<semaphore_mem>>) {add = true}
        %dma_wait3A_92 = arith.constant 0 : i32
        %dma_wait3A_93 = arith.constant 0 : i32
        %dma_wait3A_94 = tpu.memref_slice %arg20[%dma_wait3A_92, %dma_wait3A_93] : memref<10000x128xf32, #tpu.memory_space<vmem_shared>> -> memref<10000x128xf32, #tpu.memory_space<vmem_shared>>
        tpu.wait_indirect_dma semaphore(%run_scoped3A : memref<!tpu.dma_semaphore, #tpu.memory_space<semaphore_mem>>) src(%arg14 : memref<80x128xf32, #tpu.memory_space<vmem>>) dst(%dma_wait3A_94 : memref<10000x128xf32, #tpu.memory_space<vmem_shared>>)
        tpu.yield
      }) : () -> ()
    } else {
    }
    %barrier3A_17 = arith.constant 0 : index
    tpu.barrier barrier_id(%barrier3A_17)
    %eq3A_18 = arith.constant 0 : i32
    %eq3A_19 = arith.cmpi eq, %arg0, %eq3A_18 : i32
    %convert_element_type3A_20 = arith.extui %eq3A_19 : i1 to i32
    %cond3A_21 = arith.constant 0 : i32
    %cond3A_22 = arith.cmpi ne, %convert_element_type3A_20, %cond3A_21 : i32
    scf.if %cond3A_22 {
      %mul3A_64 = arith.constant 624 : i32
      %mul3A_65 = arith.muli %arg1, %mul3A_64 : i32
      %lt3A_66 = arith.constant 15 : i32
      %lt3A_67 = arith.cmpi slt, %arg1, %lt3A_66 : i32
      %convert_element_type3A_68 = arith.extui %lt3A_67 : i1 to i32
      %cond3A_69 = arith.constant 0 : i32
      %cond3A_70 = arith.cmpi ne, %convert_element_type3A_68, %cond3A_69 : i32
      scf.if %cond3A_70 {
        "tpu.region"() ({
          %run_scoped3A = tpu.sem_alloc : memref<!tpu.dma_semaphore, #tpu.memory_space<semaphore_mem>>
          %dma_start3A = arith.constant 0 : i32
          %dma_start3A_76 = tpu.memref_slice %arg8[%mul3A_65, %dma_start3A] : memref<10000x128xf32, #tpu.memory_space<hbm>> -> memref<624x128xf32, #tpu.memory_space<hbm>>
          %dma_start3A_77 = arith.constant 0 : i32
          %dma_start3A_78 = tpu.memref_slice %arg20[%mul3A_65, %dma_start3A_77] : memref<10000x128xf32, #tpu.memory_space<vmem_shared>> -> memref<624x128xf32, #tpu.memory_space<vmem_shared>>
          tpu.enqueue_dma source(%dma_start3A_78 : memref<624x128xf32, #tpu.memory_space<vmem_shared>>) target(%dma_start3A_76 : memref<624x128xf32, #tpu.memory_space<hbm>>) target_semaphore(%run_scoped3A : memref<!tpu.dma_semaphore, #tpu.memory_space<semaphore_mem>>)
          %dma_wait3A = arith.constant 0 : i32
          %dma_wait3A_79 = tpu.memref_slice %arg8[%mul3A_65, %dma_wait3A] : memref<10000x128xf32, #tpu.memory_space<hbm>> -> memref<624x128xf32, #tpu.memory_space<hbm>>
          %dma_wait3A_80 = arith.constant 0 : i32
          %dma_wait3A_81 = tpu.memref_slice %arg20[%mul3A_65, %dma_wait3A_80] : memref<10000x128xf32, #tpu.memory_space<vmem_shared>> -> memref<624x128xf32, #tpu.memory_space<vmem_shared>>
          tpu.wait_dma2 semaphore(%run_scoped3A : memref<!tpu.dma_semaphore, #tpu.memory_space<semaphore_mem>>) src(%dma_wait3A_81 : memref<624x128xf32, #tpu.memory_space<vmem_shared>>) dst(%dma_wait3A_79 : memref<624x128xf32, #tpu.memory_space<hbm>>)
          tpu.yield
        }) : () -> ()
      } else {
      }
      %eq3A_71 = arith.constant 15 : i32
      %eq3A_72 = arith.cmpi eq, %arg1, %eq3A_71 : i32
      %convert_element_type3A_73 = arith.extui %eq3A_72 : i1 to i32
      %cond3A_74 = arith.constant 0 : i32
      %cond3A_75 = arith.cmpi ne, %convert_element_type3A_73, %cond3A_74 : i32
      scf.if %cond3A_75 {
        "tpu.region"() ({
          %run_scoped3A = tpu.sem_alloc : memref<!tpu.dma_semaphore, #tpu.memory_space<semaphore_mem>>
          %dma_start3A = arith.constant 9360 : i32
          %dma_start3A_76 = arith.constant 0 : i32
          %dma_start3A_77 = tpu.memref_slice %arg8[%dma_start3A, %dma_start3A_76] : memref<10000x128xf32, #tpu.memory_space<hbm>> -> memref<640x128xf32, #tpu.memory_space<hbm>>
          %dma_start3A_78 = arith.constant 9360 : i32
          %dma_start3A_79 = arith.constant 0 : i32
          %dma_start3A_80 = tpu.memref_slice %arg20[%dma_start3A_78, %dma_start3A_79] : memref<10000x128xf32, #tpu.memory_space<vmem_shared>> -> memref<640x128xf32, #tpu.memory_space<vmem_shared>>
          tpu.enqueue_dma source(%dma_start3A_80 : memref<640x128xf32, #tpu.memory_space<vmem_shared>>) target(%dma_start3A_77 : memref<640x128xf32, #tpu.memory_space<hbm>>) target_semaphore(%run_scoped3A : memref<!tpu.dma_semaphore, #tpu.memory_space<semaphore_mem>>)
          %dma_wait3A = arith.constant 9360 : i32
          %dma_wait3A_81 = arith.constant 0 : i32
          %dma_wait3A_82 = tpu.memref_slice %arg8[%dma_wait3A, %dma_wait3A_81] : memref<10000x128xf32, #tpu.memory_space<hbm>> -> memref<640x128xf32, #tpu.memory_space<hbm>>
          %dma_wait3A_83 = arith.constant 9360 : i32
          %dma_wait3A_84 = arith.constant 0 : i32
          %dma_wait3A_85 = tpu.memref_slice %arg20[%dma_wait3A_83, %dma_wait3A_84] : memref<10000x128xf32, #tpu.memory_space<vmem_shared>> -> memref<640x128xf32, #tpu.memory_space<vmem_shared>>
          tpu.wait_dma2 semaphore(%run_scoped3A : memref<!tpu.dma_semaphore, #tpu.memory_space<semaphore_mem>>) src(%dma_wait3A_85 : memref<640x128xf32, #tpu.memory_space<vmem_shared>>) dst(%dma_wait3A_82 : memref<640x128xf32, #tpu.memory_space<hbm>>)
          tpu.yield
        }) : () -> ()
      } else {
      }
    } else {
    }
    %eq3A_23 = arith.constant 1 : i32
    %eq3A_24 = arith.cmpi eq, %arg0, %eq3A_23 : i32
    %convert_element_type3A_25 = arith.extui %eq3A_24 : i1 to i32
    %cond3A_26 = arith.constant 0 : i32
    %cond3A_27 = arith.cmpi ne, %convert_element_type3A_25, %cond3A_26 : i32
    scf.if %cond3A_27 {
      %mul3A_64 = arith.constant 624 : i32
      %mul3A_65 = arith.muli %arg1, %mul3A_64 : i32
      %lt3A_66 = arith.constant 15 : i32
      %lt3A_67 = arith.cmpi slt, %arg1, %lt3A_66 : i32
      %convert_element_type3A_68 = arith.extui %lt3A_67 : i1 to i32
      %cond3A_69 = arith.constant 0 : i32
      %cond3A_70 = arith.cmpi ne, %convert_element_type3A_68, %cond3A_69 : i32
      scf.if %cond3A_70 {
        "tpu.region"() ({
          %run_scoped3A = tpu.sem_alloc : memref<!tpu.dma_semaphore, #tpu.memory_space<semaphore_mem>>
          %dma_start3A = arith.constant 0 : i32
          %dma_start3A_76 = tpu.memref_slice %arg9[%mul3A_65, %dma_start3A] : memref<10000x128xf32, #tpu.memory_space<hbm>> -> memref<624x128xf32, #tpu.memory_space<hbm>>
          %dma_start3A_77 = arith.constant 0 : i32
          %dma_start3A_78 = tpu.memref_slice %arg20[%mul3A_65, %dma_start3A_77] : memref<10000x128xf32, #tpu.memory_space<vmem_shared>> -> memref<624x128xf32, #tpu.memory_space<vmem_shared>>
          tpu.enqueue_dma source(%dma_start3A_78 : memref<624x128xf32, #tpu.memory_space<vmem_shared>>) target(%dma_start3A_76 : memref<624x128xf32, #tpu.memory_space<hbm>>) target_semaphore(%run_scoped3A : memref<!tpu.dma_semaphore, #tpu.memory_space<semaphore_mem>>)
          %dma_wait3A = arith.constant 0 : i32
          %dma_wait3A_79 = tpu.memref_slice %arg9[%mul3A_65, %dma_wait3A] : memref<10000x128xf32, #tpu.memory_space<hbm>> -> memref<624x128xf32, #tpu.memory_space<hbm>>
          %dma_wait3A_80 = arith.constant 0 : i32
          %dma_wait3A_81 = tpu.memref_slice %arg20[%mul3A_65, %dma_wait3A_80] : memref<10000x128xf32, #tpu.memory_space<vmem_shared>> -> memref<624x128xf32, #tpu.memory_space<vmem_shared>>
          tpu.wait_dma2 semaphore(%run_scoped3A : memref<!tpu.dma_semaphore, #tpu.memory_space<semaphore_mem>>) src(%dma_wait3A_81 : memref<624x128xf32, #tpu.memory_space<vmem_shared>>) dst(%dma_wait3A_79 : memref<624x128xf32, #tpu.memory_space<hbm>>)
          tpu.yield
        }) : () -> ()
      } else {
      }
      %eq3A_71 = arith.constant 15 : i32
      %eq3A_72 = arith.cmpi eq, %arg1, %eq3A_71 : i32
      %convert_element_type3A_73 = arith.extui %eq3A_72 : i1 to i32
      %cond3A_74 = arith.constant 0 : i32
      %cond3A_75 = arith.cmpi ne, %convert_element_type3A_73, %cond3A_74 : i32
      scf.if %cond3A_75 {
        "tpu.region"() ({
          %run_scoped3A = tpu.sem_alloc : memref<!tpu.dma_semaphore, #tpu.memory_space<semaphore_mem>>
          %dma_start3A = arith.constant 9360 : i32
          %dma_start3A_76 = arith.constant 0 : i32
          %dma_start3A_77 = tpu.memref_slice %arg9[%dma_start3A, %dma_start3A_76] : memref<10000x128xf32, #tpu.memory_space<hbm>> -> memref<640x128xf32, #tpu.memory_space<hbm>>
          %dma_start3A_78 = arith.constant 9360 : i32
          %dma_start3A_79 = arith.constant 0 : i32
          %dma_start3A_80 = tpu.memref_slice %arg20[%dma_start3A_78, %dma_start3A_79] : memref<10000x128xf32, #tpu.memory_space<vmem_shared>> -> memref<640x128xf32, #tpu.memory_space<vmem_shared>>
          tpu.enqueue_dma source(%dma_start3A_80 : memref<640x128xf32, #tpu.memory_space<vmem_shared>>) target(%dma_start3A_77 : memref<640x128xf32, #tpu.memory_space<hbm>>) target_semaphore(%run_scoped3A : memref<!tpu.dma_semaphore, #tpu.memory_space<semaphore_mem>>)
          %dma_wait3A = arith.constant 9360 : i32
          %dma_wait3A_81 = arith.constant 0 : i32
          %dma_wait3A_82 = tpu.memref_slice %arg9[%dma_wait3A, %dma_wait3A_81] : memref<10000x128xf32, #tpu.memory_space<hbm>> -> memref<640x128xf32, #tpu.memory_space<hbm>>
          %dma_wait3A_83 = arith.constant 9360 : i32
          %dma_wait3A_84 = arith.constant 0 : i32
          %dma_wait3A_85 = tpu.memref_slice %arg20[%dma_wait3A_83, %dma_wait3A_84] : memref<10000x128xf32, #tpu.memory_space<vmem_shared>> -> memref<640x128xf32, #tpu.memory_space<vmem_shared>>
          tpu.wait_dma2 semaphore(%run_scoped3A : memref<!tpu.dma_semaphore, #tpu.memory_space<semaphore_mem>>) src(%dma_wait3A_85 : memref<640x128xf32, #tpu.memory_space<vmem_shared>>) dst(%dma_wait3A_82 : memref<640x128xf32, #tpu.memory_space<hbm>>)
          tpu.yield
        }) : () -> ()
      } else {
      }
    } else {
    }
    %barrier3A_28 = arith.constant 0 : index
    tpu.barrier barrier_id(%barrier3A_28)
    %mul3A_29 = arith.constant 624 : i32
    %mul3A_30 = arith.muli %arg1, %mul3A_29 : i32
    %lt3A_31 = arith.constant 15 : i32
    %lt3A_32 = arith.cmpi slt, %arg1, %lt3A_31 : i32
    %convert_element_type3A_33 = arith.extui %lt3A_32 : i1 to i32
    %cond3A_34 = arith.constant 0 : i32
    %cond3A_35 = arith.cmpi ne, %convert_element_type3A_33, %cond3A_34 : i32
    scf.if %cond3A_35 {
      "tpu.region"() ({
        %run_scoped3A = tpu.sem_alloc : memref<!tpu.dma_semaphore, #tpu.memory_space<semaphore_mem>>
        %dma_start3A = arith.constant 0 : i32
        %dma_start3A_64 = tpu.memref_slice %arg20[%mul3A_30, %dma_start3A] : memref<10000x128xf32, #tpu.memory_space<vmem_shared>> -> memref<624x128xf32, #tpu.memory_space<vmem_shared>>
        %dma_start3A_65 = arith.constant 0 : i32
        %dma_start3A_66 = tpu.memref_slice %arg7[%mul3A_30, %dma_start3A_65] : memref<10000x128xf32, #tpu.memory_space<hbm>> -> memref<624x128xf32, #tpu.memory_space<hbm>>
        tpu.enqueue_dma source(%dma_start3A_66 : memref<624x128xf32, #tpu.memory_space<hbm>>) target(%dma_start3A_64 : memref<624x128xf32, #tpu.memory_space<vmem_shared>>) target_semaphore(%run_scoped3A : memref<!tpu.dma_semaphore, #tpu.memory_space<semaphore_mem>>)
        %dma_wait3A = arith.constant 0 : i32
        %dma_wait3A_67 = tpu.memref_slice %arg20[%mul3A_30, %dma_wait3A] : memref<10000x128xf32, #tpu.memory_space<vmem_shared>> -> memref<624x128xf32, #tpu.memory_space<vmem_shared>>
        %dma_wait3A_68 = arith.constant 0 : i32
        %dma_wait3A_69 = tpu.memref_slice %arg7[%mul3A_30, %dma_wait3A_68] : memref<10000x128xf32, #tpu.memory_space<hbm>> -> memref<624x128xf32, #tpu.memory_space<hbm>>
        tpu.wait_dma2 semaphore(%run_scoped3A : memref<!tpu.dma_semaphore, #tpu.memory_space<semaphore_mem>>) src(%dma_wait3A_69 : memref<624x128xf32, #tpu.memory_space<hbm>>) dst(%dma_wait3A_67 : memref<624x128xf32, #tpu.memory_space<vmem_shared>>)
        tpu.yield
      }) : () -> ()
    } else {
    }
    %eq3A_36 = arith.constant 15 : i32
    %eq3A_37 = arith.cmpi eq, %arg1, %eq3A_36 : i32
    %convert_element_type3A_38 = arith.extui %eq3A_37 : i1 to i32
    %cond3A_39 = arith.constant 0 : i32
    %cond3A_40 = arith.cmpi ne, %convert_element_type3A_38, %cond3A_39 : i32
    scf.if %cond3A_40 {
      "tpu.region"() ({
        %run_scoped3A = tpu.sem_alloc : memref<!tpu.dma_semaphore, #tpu.memory_space<semaphore_mem>>
        %dma_start3A = arith.constant 9360 : i32
        %dma_start3A_64 = arith.constant 0 : i32
        %dma_start3A_65 = tpu.memref_slice %arg20[%dma_start3A, %dma_start3A_64] : memref<10000x128xf32, #tpu.memory_space<vmem_shared>> -> memref<640x128xf32, #tpu.memory_space<vmem_shared>>
        %dma_start3A_66 = arith.constant 9360 : i32
        %dma_start3A_67 = arith.constant 0 : i32
        %dma_start3A_68 = tpu.memref_slice %arg7[%dma_start3A_66, %dma_start3A_67] : memref<10000x128xf32, #tpu.memory_space<hbm>> -> memref<640x128xf32, #tpu.memory_space<hbm>>
        tpu.enqueue_dma source(%dma_start3A_68 : memref<640x128xf32, #tpu.memory_space<hbm>>) target(%dma_start3A_65 : memref<640x128xf32, #tpu.memory_space<vmem_shared>>) target_semaphore(%run_scoped3A : memref<!tpu.dma_semaphore, #tpu.memory_space<semaphore_mem>>)
        %dma_wait3A = arith.constant 9360 : i32
        %dma_wait3A_69 = arith.constant 0 : i32
        %dma_wait3A_70 = tpu.memref_slice %arg20[%dma_wait3A, %dma_wait3A_69] : memref<10000x128xf32, #tpu.memory_space<vmem_shared>> -> memref<640x128xf32, #tpu.memory_space<vmem_shared>>
        %dma_wait3A_71 = arith.constant 9360 : i32
        %dma_wait3A_72 = arith.constant 0 : i32
        %dma_wait3A_73 = tpu.memref_slice %arg7[%dma_wait3A_71, %dma_wait3A_72] : memref<10000x128xf32, #tpu.memory_space<hbm>> -> memref<640x128xf32, #tpu.memory_space<hbm>>
        tpu.wait_dma2 semaphore(%run_scoped3A : memref<!tpu.dma_semaphore, #tpu.memory_space<semaphore_mem>>) src(%dma_wait3A_73 : memref<640x128xf32, #tpu.memory_space<hbm>>) dst(%dma_wait3A_70 : memref<640x128xf32, #tpu.memory_space<vmem_shared>>)
        tpu.yield
      }) : () -> ()
    } else {
    }
    %barrier3A_41 = arith.constant 0 : index
    tpu.barrier barrier_id(%barrier3A_41)
    %eq3A_42 = arith.constant 0 : i32
    %eq3A_43 = arith.cmpi eq, %arg0, %eq3A_42 : i32
    %convert_element_type3A_44 = arith.extui %eq3A_43 : i1 to i32
    %cond3A_45 = arith.constant 0 : i32
    %cond3A_46 = arith.cmpi ne, %convert_element_type3A_44, %cond3A_45 : i32
    scf.if %cond3A_46 {
      %mul3A_64 = arith.constant 10000 : i32
      %mul3A_65 = arith.muli %arg1, %mul3A_64 : i32
      %add3A = arith.constant 0 : i32
      %add3A_66 = arith.addi %mul3A_65, %add3A : i32
      %dma_start3A = tpu.memref_slice %arg6[%add3A_66] : memref<160000xi32, #tpu.memory_space<hbm>> -> memref<80xi32, #tpu.memory_space<hbm>>
      %dma_start3A_67 = tpu.memref_slice %arg6[%add3A_66] : memref<160000xi32, #tpu.memory_space<hbm>> -> memref<80xi32, #tpu.memory_space<hbm>>
      tpu.enqueue_dma source(%dma_start3A_67 : memref<80xi32, #tpu.memory_space<hbm>>) target(%arg12 : memref<80xi32, #tpu.memory_space<vmem>>) target_semaphore(%arg16 : memref<!tpu.dma_semaphore, #tpu.memory_space<semaphore_mem>>)
      %dma_start3A_68 = arith.constant 0 : i32
      %dma_start3A_69 = tpu.memref_slice %arg4[%add3A_66, %dma_start3A_68] : memref<160000x128xf32, #tpu.memory_space<hbm>> -> memref<80x128xf32, #tpu.memory_space<hbm>>
      %dma_start3A_70 = arith.constant 0 : i32
      %dma_start3A_71 = tpu.memref_slice %arg4[%add3A_66, %dma_start3A_70] : memref<160000x128xf32, #tpu.memory_space<hbm>> -> memref<80x128xf32, #tpu.memory_space<hbm>>
      tpu.enqueue_dma source(%dma_start3A_71 : memref<80x128xf32, #tpu.memory_space<hbm>>) target(%arg14 : memref<80x128xf32, #tpu.memory_space<vmem>>) target_semaphore(%arg17 : memref<!tpu.dma_semaphore, #tpu.memory_space<semaphore_mem>>)
      %add3A_72 = arith.constant 80 : i32
      %add3A_73 = arith.addi %mul3A_65, %add3A_72 : i32
      %dma_start3A_74 = tpu.memref_slice %arg6[%add3A_73] : memref<160000xi32, #tpu.memory_space<hbm>> -> memref<80xi32, #tpu.memory_space<hbm>>
      %dma_start3A_75 = tpu.memref_slice %arg6[%add3A_73] : memref<160000xi32, #tpu.memory_space<hbm>> -> memref<80xi32, #tpu.memory_space<hbm>>
      tpu.enqueue_dma source(%dma_start3A_75 : memref<80xi32, #tpu.memory_space<hbm>>) target(%arg13 : memref<80xi32, #tpu.memory_space<vmem>>) target_semaphore(%arg18 : memref<!tpu.dma_semaphore, #tpu.memory_space<semaphore_mem>>)
      %dma_start3A_76 = arith.constant 0 : i32
      %dma_start3A_77 = tpu.memref_slice %arg4[%add3A_73, %dma_start3A_76] : memref<160000x128xf32, #tpu.memory_space<hbm>> -> memref<80x128xf32, #tpu.memory_space<hbm>>
      %dma_start3A_78 = arith.constant 0 : i32
      %dma_start3A_79 = tpu.memref_slice %arg4[%add3A_73, %dma_start3A_78] : memref<160000x128xf32, #tpu.memory_space<hbm>> -> memref<80x128xf32, #tpu.memory_space<hbm>>
      tpu.enqueue_dma source(%dma_start3A_79 : memref<80x128xf32, #tpu.memory_space<hbm>>) target(%arg15 : memref<80x128xf32, #tpu.memory_space<vmem>>) target_semaphore(%arg19 : memref<!tpu.dma_semaphore, #tpu.memory_space<semaphore_mem>>)
      %scan3A = arith.constant 0 : i32
      %scan3A_80 = arith.constant 62 : i32
      %scan3A_81 = arith.addi %scan3A, %scan3A_80 : i32
      %scan3A_82 = arith.constant 1 : i32
      scf.for %scan3A_89 = %scan3A to %scan3A_81 step %scan3A_82  : i32 {
        %dma_wait3A_90 = tpu.memref_slice %arg6[%mul3A_65] : memref<160000xi32, #tpu.memory_space<hbm>> -> memref<80xi32, #tpu.memory_space<hbm>>
        %dma_wait3A_91 = tpu.memref_slice %arg6[%mul3A_65] : memref<160000xi32, #tpu.memory_space<hbm>> -> memref<80xi32, #tpu.memory_space<hbm>>
        tpu.wait_dma2 semaphore(%arg16 : memref<!tpu.dma_semaphore, #tpu.memory_space<semaphore_mem>>) src(%dma_wait3A_91 : memref<80xi32, #tpu.memory_space<hbm>>) dst(%arg12 : memref<80xi32, #tpu.memory_space<vmem>>)
        %dma_wait3A_92 = arith.constant 0 : i32
        %dma_wait3A_93 = tpu.memref_slice %arg4[%mul3A_65, %dma_wait3A_92] : memref<160000x128xf32, #tpu.memory_space<hbm>> -> memref<80x128xf32, #tpu.memory_space<hbm>>
        %dma_wait3A_94 = arith.constant 0 : i32
        %dma_wait3A_95 = tpu.memref_slice %arg4[%mul3A_65, %dma_wait3A_94] : memref<160000x128xf32, #tpu.memory_space<hbm>> -> memref<80x128xf32, #tpu.memory_space<hbm>>
        tpu.wait_dma2 semaphore(%arg17 : memref<!tpu.dma_semaphore, #tpu.memory_space<semaphore_mem>>) src(%dma_wait3A_95 : memref<80x128xf32, #tpu.memory_space<hbm>>) dst(%arg14 : memref<80x128xf32, #tpu.memory_space<vmem>>)
        "tpu.region"() ({
          %run_scoped3A = tpu.sem_alloc : memref<!tpu.dma_semaphore, #tpu.memory_space<semaphore_mem>>
          %dma_start3A_120 = arith.constant 0 : i32
          %dma_start3A_121 = arith.constant 0 : i32
          %dma_start3A_122 = tpu.memref_slice %arg20[%dma_start3A_120, %dma_start3A_121] : memref<10000x128xf32, #tpu.memory_space<vmem_shared>> -> memref<10000x128xf32, #tpu.memory_space<vmem_shared>>
          tpu.enqueue_indirect_dma source(%arg14 : memref<80x128xf32, #tpu.memory_space<vmem>>) target(%dma_start3A_122 : memref<10000x128xf32, #tpu.memory_space<vmem_shared>>) offsets(%arg12 : memref<80xi32, #tpu.memory_space<vmem>>) semaphore(%run_scoped3A : memref<!tpu.dma_semaphore, #tpu.memory_space<semaphore_mem>>) {add = true}
          %dma_wait3A_123 = arith.constant 0 : i32
          %dma_wait3A_124 = arith.constant 0 : i32
          %dma_wait3A_125 = tpu.memref_slice %arg20[%dma_wait3A_123, %dma_wait3A_124] : memref<10000x128xf32, #tpu.memory_space<vmem_shared>> -> memref<10000x128xf32, #tpu.memory_space<vmem_shared>>
          tpu.wait_indirect_dma semaphore(%run_scoped3A : memref<!tpu.dma_semaphore, #tpu.memory_space<semaphore_mem>>) src(%arg14 : memref<80x128xf32, #tpu.memory_space<vmem>>) dst(%dma_wait3A_125 : memref<10000x128xf32, #tpu.memory_space<vmem_shared>>)
          tpu.yield
        }) : () -> ()
        %mul3A_96 = arith.constant 2 : i32
        %mul3A_97 = arith.muli %mul3A_96, %scan3A_89 : i32
        %add3A_98 = arith.constant 2 : i32
        %add3A_99 = arith.addi %mul3A_97, %add3A_98 : i32
        %mul3A_100 = arith.constant 80 : i32
        %mul3A_101 = arith.muli %add3A_99, %mul3A_100 : i32
        %add3A_102 = arith.addi %mul3A_65, %mul3A_101 : i32
        %dma_start3A_103 = tpu.memref_slice %arg6[%add3A_102] : memref<160000xi32, #tpu.memory_space<hbm>> -> memref<80xi32, #tpu.memory_space<hbm>>
        %dma_start3A_104 = tpu.memref_slice %arg6[%add3A_102] : memref<160000xi32, #tpu.memory_space<hbm>> -> memref<80xi32, #tpu.memory_space<hbm>>
        tpu.enqueue_dma source(%dma_start3A_104 : memref<80xi32, #tpu.memory_space<hbm>>) target(%arg12 : memref<80xi32, #tpu.memory_space<vmem>>) target_semaphore(%arg16 : memref<!tpu.dma_semaphore, #tpu.memory_space<semaphore_mem>>)
        %dma_start3A_105 = arith.constant 0 : i32
        %dma_start3A_106 = tpu.memref_slice %arg4[%add3A_102, %dma_start3A_105] : memref<160000x128xf32, #tpu.memory_space<hbm>> -> memref<80x128xf32, #tpu.memory_space<hbm>>
        %dma_start3A_107 = arith.constant 0 : i32
        %dma_start3A_108 = tpu.memref_slice %arg4[%add3A_102, %dma_start3A_107] : memref<160000x128xf32, #tpu.memory_space<hbm>> -> memref<80x128xf32, #tpu.memory_space<hbm>>
        tpu.enqueue_dma source(%dma_start3A_108 : memref<80x128xf32, #tpu.memory_space<hbm>>) target(%arg14 : memref<80x128xf32, #tpu.memory_space<vmem>>) target_semaphore(%arg17 : memref<!tpu.dma_semaphore, #tpu.memory_space<semaphore_mem>>)
        %dma_wait3A_109 = tpu.memref_slice %arg6[%mul3A_65] : memref<160000xi32, #tpu.memory_space<hbm>> -> memref<80xi32, #tpu.memory_space<hbm>>
        %dma_wait3A_110 = tpu.memref_slice %arg6[%mul3A_65] : memref<160000xi32, #tpu.memory_space<hbm>> -> memref<80xi32, #tpu.memory_space<hbm>>
        tpu.wait_dma2 semaphore(%arg18 : memref<!tpu.dma_semaphore, #tpu.memory_space<semaphore_mem>>) src(%dma_wait3A_110 : memref<80xi32, #tpu.memory_space<hbm>>) dst(%arg13 : memref<80xi32, #tpu.memory_space<vmem>>)
        %dma_wait3A_111 = arith.constant 0 : i32
        %dma_wait3A_112 = tpu.memref_slice %arg4[%mul3A_65, %dma_wait3A_111] : memref<160000x128xf32, #tpu.memory_space<hbm>> -> memref<80x128xf32, #tpu.memory_space<hbm>>
        %dma_wait3A_113 = arith.constant 0 : i32
        %dma_wait3A_114 = tpu.memref_slice %arg4[%mul3A_65, %dma_wait3A_113] : memref<160000x128xf32, #tpu.memory_space<hbm>> -> memref<80x128xf32, #tpu.memory_space<hbm>>
        tpu.wait_dma2 semaphore(%arg19 : memref<!tpu.dma_semaphore, #tpu.memory_space<semaphore_mem>>) src(%dma_wait3A_114 : memref<80x128xf32, #tpu.memory_space<hbm>>) dst(%arg15 : memref<80x128xf32, #tpu.memory_space<vmem>>)
        "tpu.region"() ({
          %run_scoped3A = tpu.sem_alloc : memref<!tpu.dma_semaphore, #tpu.memory_space<semaphore_mem>>
          %dma_start3A_120 = arith.constant 0 : i32
          %dma_start3A_121 = arith.constant 0 : i32
          %dma_start3A_122 = tpu.memref_slice %arg20[%dma_start3A_120, %dma_start3A_121] : memref<10000x128xf32, #tpu.memory_space<vmem_shared>> -> memref<10000x128xf32, #tpu.memory_space<vmem_shared>>
          tpu.enqueue_indirect_dma source(%arg15 : memref<80x128xf32, #tpu.memory_space<vmem>>) target(%dma_start3A_122 : memref<10000x128xf32, #tpu.memory_space<vmem_shared>>) offsets(%arg13 : memref<80xi32, #tpu.memory_space<vmem>>) semaphore(%run_scoped3A : memref<!tpu.dma_semaphore, #tpu.memory_space<semaphore_mem>>) {add = true}
          %dma_wait3A_123 = arith.constant 0 : i32
          %dma_wait3A_124 = arith.constant 0 : i32
          %dma_wait3A_125 = tpu.memref_slice %arg20[%dma_wait3A_123, %dma_wait3A_124] : memref<10000x128xf32, #tpu.memory_space<vmem_shared>> -> memref<10000x128xf32, #tpu.memory_space<vmem_shared>>
          tpu.wait_indirect_dma semaphore(%run_scoped3A : memref<!tpu.dma_semaphore, #tpu.memory_space<semaphore_mem>>) src(%arg15 : memref<80x128xf32, #tpu.memory_space<vmem>>) dst(%dma_wait3A_125 : memref<10000x128xf32, #tpu.memory_space<vmem_shared>>)
          tpu.yield
        }) : () -> ()
        %lt3A_115 = arith.constant 61 : i32
        %lt3A_116 = arith.cmpi slt, %scan3A_89, %lt3A_115 : i32
        %convert_element_type3A_117 = arith.extui %lt3A_116 : i1 to i32
        %cond3A_118 = arith.constant 0 : i32
        %cond3A_119 = arith.cmpi ne, %convert_element_type3A_117, %cond3A_118 : i32
        scf.if %cond3A_119 {
          %mul3A_120 = arith.constant 2 : i32
          %mul3A_121 = arith.muli %mul3A_120, %scan3A_89 : i32
          %add3A_122 = arith.constant 3 : i32
          %add3A_123 = arith.addi %mul3A_121, %add3A_122 : i32
          %mul3A_124 = arith.constant 80 : i32
          %mul3A_125 = arith.muli %add3A_123, %mul3A_124 : i32
          %add3A_126 = arith.addi %mul3A_65, %mul3A_125 : i32
          %dma_start3A_127 = tpu.memref_slice %arg6[%add3A_126] : memref<160000xi32, #tpu.memory_space<hbm>> -> memref<80xi32, #tpu.memory_space<hbm>>
          %dma_start3A_128 = tpu.memref_slice %arg6[%add3A_126] : memref<160000xi32, #tpu.memory_space<hbm>> -> memref<80xi32, #tpu.memory_space<hbm>>
          tpu.enqueue_dma source(%dma_start3A_128 : memref<80xi32, #tpu.memory_space<hbm>>) target(%arg13 : memref<80xi32, #tpu.memory_space<vmem>>) target_semaphore(%arg18 : memref<!tpu.dma_semaphore, #tpu.memory_space<semaphore_mem>>)
          %dma_start3A_129 = arith.constant 0 : i32
          %dma_start3A_130 = tpu.memref_slice %arg4[%add3A_126, %dma_start3A_129] : memref<160000x128xf32, #tpu.memory_space<hbm>> -> memref<80x128xf32, #tpu.memory_space<hbm>>
          %dma_start3A_131 = arith.constant 0 : i32
          %dma_start3A_132 = tpu.memref_slice %arg4[%add3A_126, %dma_start3A_131] : memref<160000x128xf32, #tpu.memory_space<hbm>> -> memref<80x128xf32, #tpu.memory_space<hbm>>
          tpu.enqueue_dma source(%dma_start3A_132 : memref<80x128xf32, #tpu.memory_space<hbm>>) target(%arg15 : memref<80x128xf32, #tpu.memory_space<vmem>>) target_semaphore(%arg19 : memref<!tpu.dma_semaphore, #tpu.memory_space<semaphore_mem>>)
        } else {
        }
      }
      %scan3A_83 = arith.constant 62 : i32
      %dma_wait3A = tpu.memref_slice %arg6[%mul3A_65] : memref<160000xi32, #tpu.memory_space<hbm>> -> memref<80xi32, #tpu.memory_space<hbm>>
      %dma_wait3A_84 = tpu.memref_slice %arg6[%mul3A_65] : memref<160000xi32, #tpu.memory_space<hbm>> -> memref<80xi32, #tpu.memory_space<hbm>>
      tpu.wait_dma2 semaphore(%arg16 : memref<!tpu.dma_semaphore, #tpu.memory_space<semaphore_mem>>) src(%dma_wait3A_84 : memref<80xi32, #tpu.memory_space<hbm>>) dst(%arg12 : memref<80xi32, #tpu.memory_space<vmem>>)
      %dma_wait3A_85 = arith.constant 0 : i32
      %dma_wait3A_86 = tpu.memref_slice %arg4[%mul3A_65, %dma_wait3A_85] : memref<160000x128xf32, #tpu.memory_space<hbm>> -> memref<80x128xf32, #tpu.memory_space<hbm>>
      %dma_wait3A_87 = arith.constant 0 : i32
      %dma_wait3A_88 = tpu.memref_slice %arg4[%mul3A_65, %dma_wait3A_87] : memref<160000x128xf32, #tpu.memory_space<hbm>> -> memref<80x128xf32, #tpu.memory_space<hbm>>
      tpu.wait_dma2 semaphore(%arg17 : memref<!tpu.dma_semaphore, #tpu.memory_space<semaphore_mem>>) src(%dma_wait3A_88 : memref<80x128xf32, #tpu.memory_space<hbm>>) dst(%arg14 : memref<80x128xf32, #tpu.memory_space<vmem>>)
      "tpu.region"() ({
        %run_scoped3A = tpu.sem_alloc : memref<!tpu.dma_semaphore, #tpu.memory_space<semaphore_mem>>
        %dma_start3A_89 = arith.constant 0 : i32
        %dma_start3A_90 = arith.constant 0 : i32
        %dma_start3A_91 = tpu.memref_slice %arg20[%dma_start3A_89, %dma_start3A_90] : memref<10000x128xf32, #tpu.memory_space<vmem_shared>> -> memref<10000x128xf32, #tpu.memory_space<vmem_shared>>
        tpu.enqueue_indirect_dma source(%arg14 : memref<80x128xf32, #tpu.memory_space<vmem>>) target(%dma_start3A_91 : memref<10000x128xf32, #tpu.memory_space<vmem_shared>>) offsets(%arg12 : memref<80xi32, #tpu.memory_space<vmem>>) semaphore(%run_scoped3A : memref<!tpu.dma_semaphore, #tpu.memory_space<semaphore_mem>>) {add = true}
        %dma_wait3A_92 = arith.constant 0 : i32
        %dma_wait3A_93 = arith.constant 0 : i32
        %dma_wait3A_94 = tpu.memref_slice %arg20[%dma_wait3A_92, %dma_wait3A_93] : memref<10000x128xf32, #tpu.memory_space<vmem_shared>> -> memref<10000x128xf32, #tpu.memory_space<vmem_shared>>
        tpu.wait_indirect_dma semaphore(%run_scoped3A : memref<!tpu.dma_semaphore, #tpu.memory_space<semaphore_mem>>) src(%arg14 : memref<80x128xf32, #tpu.memory_space<vmem>>) dst(%dma_wait3A_94 : memref<10000x128xf32, #tpu.memory_space<vmem_shared>>)
        tpu.yield
      }) : () -> ()
    } else {
    }
    %eq3A_47 = arith.constant 1 : i32
    %eq3A_48 = arith.cmpi eq, %arg0, %eq3A_47 : i32
    %convert_element_type3A_49 = arith.extui %eq3A_48 : i1 to i32
    %cond3A_50 = arith.constant 0 : i32
    %cond3A_51 = arith.cmpi ne, %convert_element_type3A_49, %cond3A_50 : i32
    scf.if %cond3A_51 {
      %mul3A_64 = arith.constant 10000 : i32
      %mul3A_65 = arith.muli %arg1, %mul3A_64 : i32
      %add3A = arith.constant 0 : i32
      %add3A_66 = arith.addi %mul3A_65, %add3A : i32
      %dma_start3A = tpu.memref_slice %arg6[%add3A_66] : memref<160000xi32, #tpu.memory_space<hbm>> -> memref<80xi32, #tpu.memory_space<hbm>>
      %dma_start3A_67 = tpu.memref_slice %arg6[%add3A_66] : memref<160000xi32, #tpu.memory_space<hbm>> -> memref<80xi32, #tpu.memory_space<hbm>>
      tpu.enqueue_dma source(%dma_start3A_67 : memref<80xi32, #tpu.memory_space<hbm>>) target(%arg12 : memref<80xi32, #tpu.memory_space<vmem>>) target_semaphore(%arg16 : memref<!tpu.dma_semaphore, #tpu.memory_space<semaphore_mem>>)
      %dma_start3A_68 = arith.constant 0 : i32
      %dma_start3A_69 = tpu.memref_slice %arg5[%add3A_66, %dma_start3A_68] : memref<160000x128xf32, #tpu.memory_space<hbm>> -> memref<80x128xf32, #tpu.memory_space<hbm>>
      %dma_start3A_70 = arith.constant 0 : i32
      %dma_start3A_71 = tpu.memref_slice %arg5[%add3A_66, %dma_start3A_70] : memref<160000x128xf32, #tpu.memory_space<hbm>> -> memref<80x128xf32, #tpu.memory_space<hbm>>
      tpu.enqueue_dma source(%dma_start3A_71 : memref<80x128xf32, #tpu.memory_space<hbm>>) target(%arg14 : memref<80x128xf32, #tpu.memory_space<vmem>>) target_semaphore(%arg17 : memref<!tpu.dma_semaphore, #tpu.memory_space<semaphore_mem>>)
      %add3A_72 = arith.constant 80 : i32
      %add3A_73 = arith.addi %mul3A_65, %add3A_72 : i32
      %dma_start3A_74 = tpu.memref_slice %arg6[%add3A_73] : memref<160000xi32, #tpu.memory_space<hbm>> -> memref<80xi32, #tpu.memory_space<hbm>>
      %dma_start3A_75 = tpu.memref_slice %arg6[%add3A_73] : memref<160000xi32, #tpu.memory_space<hbm>> -> memref<80xi32, #tpu.memory_space<hbm>>
      tpu.enqueue_dma source(%dma_start3A_75 : memref<80xi32, #tpu.memory_space<hbm>>) target(%arg13 : memref<80xi32, #tpu.memory_space<vmem>>) target_semaphore(%arg18 : memref<!tpu.dma_semaphore, #tpu.memory_space<semaphore_mem>>)
      %dma_start3A_76 = arith.constant 0 : i32
      %dma_start3A_77 = tpu.memref_slice %arg5[%add3A_73, %dma_start3A_76] : memref<160000x128xf32, #tpu.memory_space<hbm>> -> memref<80x128xf32, #tpu.memory_space<hbm>>
      %dma_start3A_78 = arith.constant 0 : i32
      %dma_start3A_79 = tpu.memref_slice %arg5[%add3A_73, %dma_start3A_78] : memref<160000x128xf32, #tpu.memory_space<hbm>> -> memref<80x128xf32, #tpu.memory_space<hbm>>
      tpu.enqueue_dma source(%dma_start3A_79 : memref<80x128xf32, #tpu.memory_space<hbm>>) target(%arg15 : memref<80x128xf32, #tpu.memory_space<vmem>>) target_semaphore(%arg19 : memref<!tpu.dma_semaphore, #tpu.memory_space<semaphore_mem>>)
      %scan3A = arith.constant 0 : i32
      %scan3A_80 = arith.constant 62 : i32
      %scan3A_81 = arith.addi %scan3A, %scan3A_80 : i32
      %scan3A_82 = arith.constant 1 : i32
      scf.for %scan3A_89 = %scan3A to %scan3A_81 step %scan3A_82  : i32 {
        %dma_wait3A_90 = tpu.memref_slice %arg6[%mul3A_65] : memref<160000xi32, #tpu.memory_space<hbm>> -> memref<80xi32, #tpu.memory_space<hbm>>
        %dma_wait3A_91 = tpu.memref_slice %arg6[%mul3A_65] : memref<160000xi32, #tpu.memory_space<hbm>> -> memref<80xi32, #tpu.memory_space<hbm>>
        tpu.wait_dma2 semaphore(%arg16 : memref<!tpu.dma_semaphore, #tpu.memory_space<semaphore_mem>>) src(%dma_wait3A_91 : memref<80xi32, #tpu.memory_space<hbm>>) dst(%arg12 : memref<80xi32, #tpu.memory_space<vmem>>)
        %dma_wait3A_92 = arith.constant 0 : i32
        %dma_wait3A_93 = tpu.memref_slice %arg5[%mul3A_65, %dma_wait3A_92] : memref<160000x128xf32, #tpu.memory_space<hbm>> -> memref<80x128xf32, #tpu.memory_space<hbm>>
        %dma_wait3A_94 = arith.constant 0 : i32
        %dma_wait3A_95 = tpu.memref_slice %arg5[%mul3A_65, %dma_wait3A_94] : memref<160000x128xf32, #tpu.memory_space<hbm>> -> memref<80x128xf32, #tpu.memory_space<hbm>>
        tpu.wait_dma2 semaphore(%arg17 : memref<!tpu.dma_semaphore, #tpu.memory_space<semaphore_mem>>) src(%dma_wait3A_95 : memref<80x128xf32, #tpu.memory_space<hbm>>) dst(%arg14 : memref<80x128xf32, #tpu.memory_space<vmem>>)
        "tpu.region"() ({
          %run_scoped3A = tpu.sem_alloc : memref<!tpu.dma_semaphore, #tpu.memory_space<semaphore_mem>>
          %dma_start3A_120 = arith.constant 0 : i32
          %dma_start3A_121 = arith.constant 0 : i32
          %dma_start3A_122 = tpu.memref_slice %arg20[%dma_start3A_120, %dma_start3A_121] : memref<10000x128xf32, #tpu.memory_space<vmem_shared>> -> memref<10000x128xf32, #tpu.memory_space<vmem_shared>>
          tpu.enqueue_indirect_dma source(%arg14 : memref<80x128xf32, #tpu.memory_space<vmem>>) target(%dma_start3A_122 : memref<10000x128xf32, #tpu.memory_space<vmem_shared>>) offsets(%arg12 : memref<80xi32, #tpu.memory_space<vmem>>) semaphore(%run_scoped3A : memref<!tpu.dma_semaphore, #tpu.memory_space<semaphore_mem>>) {add = true}
          %dma_wait3A_123 = arith.constant 0 : i32
          %dma_wait3A_124 = arith.constant 0 : i32
          %dma_wait3A_125 = tpu.memref_slice %arg20[%dma_wait3A_123, %dma_wait3A_124] : memref<10000x128xf32, #tpu.memory_space<vmem_shared>> -> memref<10000x128xf32, #tpu.memory_space<vmem_shared>>
          tpu.wait_indirect_dma semaphore(%run_scoped3A : memref<!tpu.dma_semaphore, #tpu.memory_space<semaphore_mem>>) src(%arg14 : memref<80x128xf32, #tpu.memory_space<vmem>>) dst(%dma_wait3A_125 : memref<10000x128xf32, #tpu.memory_space<vmem_shared>>)
          tpu.yield
        }) : () -> ()
        %mul3A_96 = arith.constant 2 : i32
        %mul3A_97 = arith.muli %mul3A_96, %scan3A_89 : i32
        %add3A_98 = arith.constant 2 : i32
        %add3A_99 = arith.addi %mul3A_97, %add3A_98 : i32
        %mul3A_100 = arith.constant 80 : i32
        %mul3A_101 = arith.muli %add3A_99, %mul3A_100 : i32
        %add3A_102 = arith.addi %mul3A_65, %mul3A_101 : i32
        %dma_start3A_103 = tpu.memref_slice %arg6[%add3A_102] : memref<160000xi32, #tpu.memory_space<hbm>> -> memref<80xi32, #tpu.memory_space<hbm>>
        %dma_start3A_104 = tpu.memref_slice %arg6[%add3A_102] : memref<160000xi32, #tpu.memory_space<hbm>> -> memref<80xi32, #tpu.memory_space<hbm>>
        tpu.enqueue_dma source(%dma_start3A_104 : memref<80xi32, #tpu.memory_space<hbm>>) target(%arg12 : memref<80xi32, #tpu.memory_space<vmem>>) target_semaphore(%arg16 : memref<!tpu.dma_semaphore, #tpu.memory_space<semaphore_mem>>)
        %dma_start3A_105 = arith.constant 0 : i32
        %dma_start3A_106 = tpu.memref_slice %arg5[%add3A_102, %dma_start3A_105] : memref<160000x128xf32, #tpu.memory_space<hbm>> -> memref<80x128xf32, #tpu.memory_space<hbm>>
        %dma_start3A_107 = arith.constant 0 : i32
        %dma_start3A_108 = tpu.memref_slice %arg5[%add3A_102, %dma_start3A_107] : memref<160000x128xf32, #tpu.memory_space<hbm>> -> memref<80x128xf32, #tpu.memory_space<hbm>>
        tpu.enqueue_dma source(%dma_start3A_108 : memref<80x128xf32, #tpu.memory_space<hbm>>) target(%arg14 : memref<80x128xf32, #tpu.memory_space<vmem>>) target_semaphore(%arg17 : memref<!tpu.dma_semaphore, #tpu.memory_space<semaphore_mem>>)
        %dma_wait3A_109 = tpu.memref_slice %arg6[%mul3A_65] : memref<160000xi32, #tpu.memory_space<hbm>> -> memref<80xi32, #tpu.memory_space<hbm>>
        %dma_wait3A_110 = tpu.memref_slice %arg6[%mul3A_65] : memref<160000xi32, #tpu.memory_space<hbm>> -> memref<80xi32, #tpu.memory_space<hbm>>
        tpu.wait_dma2 semaphore(%arg18 : memref<!tpu.dma_semaphore, #tpu.memory_space<semaphore_mem>>) src(%dma_wait3A_110 : memref<80xi32, #tpu.memory_space<hbm>>) dst(%arg13 : memref<80xi32, #tpu.memory_space<vmem>>)
        %dma_wait3A_111 = arith.constant 0 : i32
        %dma_wait3A_112 = tpu.memref_slice %arg5[%mul3A_65, %dma_wait3A_111] : memref<160000x128xf32, #tpu.memory_space<hbm>> -> memref<80x128xf32, #tpu.memory_space<hbm>>
        %dma_wait3A_113 = arith.constant 0 : i32
        %dma_wait3A_114 = tpu.memref_slice %arg5[%mul3A_65, %dma_wait3A_113] : memref<160000x128xf32, #tpu.memory_space<hbm>> -> memref<80x128xf32, #tpu.memory_space<hbm>>
        tpu.wait_dma2 semaphore(%arg19 : memref<!tpu.dma_semaphore, #tpu.memory_space<semaphore_mem>>) src(%dma_wait3A_114 : memref<80x128xf32, #tpu.memory_space<hbm>>) dst(%arg15 : memref<80x128xf32, #tpu.memory_space<vmem>>)
        "tpu.region"() ({
          %run_scoped3A = tpu.sem_alloc : memref<!tpu.dma_semaphore, #tpu.memory_space<semaphore_mem>>
          %dma_start3A_120 = arith.constant 0 : i32
          %dma_start3A_121 = arith.constant 0 : i32
          %dma_start3A_122 = tpu.memref_slice %arg20[%dma_start3A_120, %dma_start3A_121] : memref<10000x128xf32, #tpu.memory_space<vmem_shared>> -> memref<10000x128xf32, #tpu.memory_space<vmem_shared>>
          tpu.enqueue_indirect_dma source(%arg15 : memref<80x128xf32, #tpu.memory_space<vmem>>) target(%dma_start3A_122 : memref<10000x128xf32, #tpu.memory_space<vmem_shared>>) offsets(%arg13 : memref<80xi32, #tpu.memory_space<vmem>>) semaphore(%run_scoped3A : memref<!tpu.dma_semaphore, #tpu.memory_space<semaphore_mem>>) {add = true}
          %dma_wait3A_123 = arith.constant 0 : i32
          %dma_wait3A_124 = arith.constant 0 : i32
          %dma_wait3A_125 = tpu.memref_slice %arg20[%dma_wait3A_123, %dma_wait3A_124] : memref<10000x128xf32, #tpu.memory_space<vmem_shared>> -> memref<10000x128xf32, #tpu.memory_space<vmem_shared>>
          tpu.wait_indirect_dma semaphore(%run_scoped3A : memref<!tpu.dma_semaphore, #tpu.memory_space<semaphore_mem>>) src(%arg15 : memref<80x128xf32, #tpu.memory_space<vmem>>) dst(%dma_wait3A_125 : memref<10000x128xf32, #tpu.memory_space<vmem_shared>>)
          tpu.yield
        }) : () -> ()
        %lt3A_115 = arith.constant 61 : i32
        %lt3A_116 = arith.cmpi slt, %scan3A_89, %lt3A_115 : i32
        %convert_element_type3A_117 = arith.extui %lt3A_116 : i1 to i32
        %cond3A_118 = arith.constant 0 : i32
        %cond3A_119 = arith.cmpi ne, %convert_element_type3A_117, %cond3A_118 : i32
        scf.if %cond3A_119 {
          %mul3A_120 = arith.constant 2 : i32
          %mul3A_121 = arith.muli %mul3A_120, %scan3A_89 : i32
          %add3A_122 = arith.constant 3 : i32
          %add3A_123 = arith.addi %mul3A_121, %add3A_122 : i32
          %mul3A_124 = arith.constant 80 : i32
          %mul3A_125 = arith.muli %add3A_123, %mul3A_124 : i32
          %add3A_126 = arith.addi %mul3A_65, %mul3A_125 : i32
          %dma_start3A_127 = tpu.memref_slice %arg6[%add3A_126] : memref<160000xi32, #tpu.memory_space<hbm>> -> memref<80xi32, #tpu.memory_space<hbm>>
          %dma_start3A_128 = tpu.memref_slice %arg6[%add3A_126] : memref<160000xi32, #tpu.memory_space<hbm>> -> memref<80xi32, #tpu.memory_space<hbm>>
          tpu.enqueue_dma source(%dma_start3A_128 : memref<80xi32, #tpu.memory_space<hbm>>) target(%arg13 : memref<80xi32, #tpu.memory_space<vmem>>) target_semaphore(%arg18 : memref<!tpu.dma_semaphore, #tpu.memory_space<semaphore_mem>>)
          %dma_start3A_129 = arith.constant 0 : i32
          %dma_start3A_130 = tpu.memref_slice %arg5[%add3A_126, %dma_start3A_129] : memref<160000x128xf32, #tpu.memory_space<hbm>> -> memref<80x128xf32, #tpu.memory_space<hbm>>
          %dma_start3A_131 = arith.constant 0 : i32
          %dma_start3A_132 = tpu.memref_slice %arg5[%add3A_126, %dma_start3A_131] : memref<160000x128xf32, #tpu.memory_space<hbm>> -> memref<80x128xf32, #tpu.memory_space<hbm>>
          tpu.enqueue_dma source(%dma_start3A_132 : memref<80x128xf32, #tpu.memory_space<hbm>>) target(%arg15 : memref<80x128xf32, #tpu.memory_space<vmem>>) target_semaphore(%arg19 : memref<!tpu.dma_semaphore, #tpu.memory_space<semaphore_mem>>)
        } else {
        }
      }
      %scan3A_83 = arith.constant 62 : i32
      %dma_wait3A = tpu.memref_slice %arg6[%mul3A_65] : memref<160000xi32, #tpu.memory_space<hbm>> -> memref<80xi32, #tpu.memory_space<hbm>>
      %dma_wait3A_84 = tpu.memref_slice %arg6[%mul3A_65] : memref<160000xi32, #tpu.memory_space<hbm>> -> memref<80xi32, #tpu.memory_space<hbm>>
      tpu.wait_dma2 semaphore(%arg16 : memref<!tpu.dma_semaphore, #tpu.memory_space<semaphore_mem>>) src(%dma_wait3A_84 : memref<80xi32, #tpu.memory_space<hbm>>) dst(%arg12 : memref<80xi32, #tpu.memory_space<vmem>>)
      %dma_wait3A_85 = arith.constant 0 : i32
      %dma_wait3A_86 = tpu.memref_slice %arg5[%mul3A_65, %dma_wait3A_85] : memref<160000x128xf32, #tpu.memory_space<hbm>> -> memref<80x128xf32, #tpu.memory_space<hbm>>
      %dma_wait3A_87 = arith.constant 0 : i32
      %dma_wait3A_88 = tpu.memref_slice %arg5[%mul3A_65, %dma_wait3A_87] : memref<160000x128xf32, #tpu.memory_space<hbm>> -> memref<80x128xf32, #tpu.memory_space<hbm>>
      tpu.wait_dma2 semaphore(%arg17 : memref<!tpu.dma_semaphore, #tpu.memory_space<semaphore_mem>>) src(%dma_wait3A_88 : memref<80x128xf32, #tpu.memory_space<hbm>>) dst(%arg14 : memref<80x128xf32, #tpu.memory_space<vmem>>)
      "tpu.region"() ({
        %run_scoped3A = tpu.sem_alloc : memref<!tpu.dma_semaphore, #tpu.memory_space<semaphore_mem>>
        %dma_start3A_89 = arith.constant 0 : i32
        %dma_start3A_90 = arith.constant 0 : i32
        %dma_start3A_91 = tpu.memref_slice %arg20[%dma_start3A_89, %dma_start3A_90] : memref<10000x128xf32, #tpu.memory_space<vmem_shared>> -> memref<10000x128xf32, #tpu.memory_space<vmem_shared>>
        tpu.enqueue_indirect_dma source(%arg14 : memref<80x128xf32, #tpu.memory_space<vmem>>) target(%dma_start3A_91 : memref<10000x128xf32, #tpu.memory_space<vmem_shared>>) offsets(%arg12 : memref<80xi32, #tpu.memory_space<vmem>>) semaphore(%run_scoped3A : memref<!tpu.dma_semaphore, #tpu.memory_space<semaphore_mem>>) {add = true}
        %dma_wait3A_92 = arith.constant 0 : i32
        %dma_wait3A_93 = arith.constant 0 : i32
        %dma_wait3A_94 = tpu.memref_slice %arg20[%dma_wait3A_92, %dma_wait3A_93] : memref<10000x128xf32, #tpu.memory_space<vmem_shared>> -> memref<10000x128xf32, #tpu.memory_space<vmem_shared>>
        tpu.wait_indirect_dma semaphore(%run_scoped3A : memref<!tpu.dma_semaphore, #tpu.memory_space<semaphore_mem>>) src(%arg14 : memref<80x128xf32, #tpu.memory_space<vmem>>) dst(%dma_wait3A_94 : memref<10000x128xf32, #tpu.memory_space<vmem_shared>>)
        tpu.yield
      }) : () -> ()
    } else {
    }
    %barrier3A_52 = arith.constant 0 : index
    tpu.barrier barrier_id(%barrier3A_52)
    %eq3A_53 = arith.constant 0 : i32
    %eq3A_54 = arith.cmpi eq, %arg0, %eq3A_53 : i32
    %convert_element_type3A_55 = arith.extui %eq3A_54 : i1 to i32
    %cond3A_56 = arith.constant 0 : i32
    %cond3A_57 = arith.cmpi ne, %convert_element_type3A_55, %cond3A_56 : i32
    scf.if %cond3A_57 {
      %mul3A_64 = arith.constant 624 : i32
      %mul3A_65 = arith.muli %arg1, %mul3A_64 : i32
      %lt3A_66 = arith.constant 15 : i32
      %lt3A_67 = arith.cmpi slt, %arg1, %lt3A_66 : i32
      %convert_element_type3A_68 = arith.extui %lt3A_67 : i1 to i32
      %cond3A_69 = arith.constant 0 : i32
      %cond3A_70 = arith.cmpi ne, %convert_element_type3A_68, %cond3A_69 : i32
      scf.if %cond3A_70 {
        "tpu.region"() ({
          %run_scoped3A = tpu.sem_alloc : memref<!tpu.dma_semaphore, #tpu.memory_space<semaphore_mem>>
          %dma_start3A = arith.constant 0 : i32
          %dma_start3A_76 = tpu.memref_slice %arg10[%mul3A_65, %dma_start3A] : memref<10000x128xf32, #tpu.memory_space<hbm>> -> memref<624x128xf32, #tpu.memory_space<hbm>>
          %dma_start3A_77 = arith.constant 0 : i32
          %dma_start3A_78 = tpu.memref_slice %arg20[%mul3A_65, %dma_start3A_77] : memref<10000x128xf32, #tpu.memory_space<vmem_shared>> -> memref<624x128xf32, #tpu.memory_space<vmem_shared>>
          tpu.enqueue_dma source(%dma_start3A_78 : memref<624x128xf32, #tpu.memory_space<vmem_shared>>) target(%dma_start3A_76 : memref<624x128xf32, #tpu.memory_space<hbm>>) target_semaphore(%run_scoped3A : memref<!tpu.dma_semaphore, #tpu.memory_space<semaphore_mem>>)
          %dma_wait3A = arith.constant 0 : i32
          %dma_wait3A_79 = tpu.memref_slice %arg10[%mul3A_65, %dma_wait3A] : memref<10000x128xf32, #tpu.memory_space<hbm>> -> memref<624x128xf32, #tpu.memory_space<hbm>>
          %dma_wait3A_80 = arith.constant 0 : i32
          %dma_wait3A_81 = tpu.memref_slice %arg20[%mul3A_65, %dma_wait3A_80] : memref<10000x128xf32, #tpu.memory_space<vmem_shared>> -> memref<624x128xf32, #tpu.memory_space<vmem_shared>>
          tpu.wait_dma2 semaphore(%run_scoped3A : memref<!tpu.dma_semaphore, #tpu.memory_space<semaphore_mem>>) src(%dma_wait3A_81 : memref<624x128xf32, #tpu.memory_space<vmem_shared>>) dst(%dma_wait3A_79 : memref<624x128xf32, #tpu.memory_space<hbm>>)
          tpu.yield
        }) : () -> ()
      } else {
      }
      %eq3A_71 = arith.constant 15 : i32
      %eq3A_72 = arith.cmpi eq, %arg1, %eq3A_71 : i32
      %convert_element_type3A_73 = arith.extui %eq3A_72 : i1 to i32
      %cond3A_74 = arith.constant 0 : i32
      %cond3A_75 = arith.cmpi ne, %convert_element_type3A_73, %cond3A_74 : i32
      scf.if %cond3A_75 {
        "tpu.region"() ({
          %run_scoped3A = tpu.sem_alloc : memref<!tpu.dma_semaphore, #tpu.memory_space<semaphore_mem>>
          %dma_start3A = arith.constant 9360 : i32
          %dma_start3A_76 = arith.constant 0 : i32
          %dma_start3A_77 = tpu.memref_slice %arg10[%dma_start3A, %dma_start3A_76] : memref<10000x128xf32, #tpu.memory_space<hbm>> -> memref<640x128xf32, #tpu.memory_space<hbm>>
          %dma_start3A_78 = arith.constant 9360 : i32
          %dma_start3A_79 = arith.constant 0 : i32
          %dma_start3A_80 = tpu.memref_slice %arg20[%dma_start3A_78, %dma_start3A_79] : memref<10000x128xf32, #tpu.memory_space<vmem_shared>> -> memref<640x128xf32, #tpu.memory_space<vmem_shared>>
          tpu.enqueue_dma source(%dma_start3A_80 : memref<640x128xf32, #tpu.memory_space<vmem_shared>>) target(%dma_start3A_77 : memref<640x128xf32, #tpu.memory_space<hbm>>) target_semaphore(%run_scoped3A : memref<!tpu.dma_semaphore, #tpu.memory_space<semaphore_mem>>)
          %dma_wait3A = arith.constant 9360 : i32
          %dma_wait3A_81 = arith.constant 0 : i32
          %dma_wait3A_82 = tpu.memref_slice %arg10[%dma_wait3A, %dma_wait3A_81] : memref<10000x128xf32, #tpu.memory_space<hbm>> -> memref<640x128xf32, #tpu.memory_space<hbm>>
          %dma_wait3A_83 = arith.constant 9360 : i32
          %dma_wait3A_84 = arith.constant 0 : i32
          %dma_wait3A_85 = tpu.memref_slice %arg20[%dma_wait3A_83, %dma_wait3A_84] : memref<10000x128xf32, #tpu.memory_space<vmem_shared>> -> memref<640x128xf32, #tpu.memory_space<vmem_shared>>
          tpu.wait_dma2 semaphore(%run_scoped3A : memref<!tpu.dma_semaphore, #tpu.memory_space<semaphore_mem>>) src(%dma_wait3A_85 : memref<640x128xf32, #tpu.memory_space<vmem_shared>>) dst(%dma_wait3A_82 : memref<640x128xf32, #tpu.memory_space<hbm>>)
          tpu.yield
        }) : () -> ()
      } else {
      }
    } else {
    }
    %eq3A_58 = arith.constant 1 : i32
    %eq3A_59 = arith.cmpi eq, %arg0, %eq3A_58 : i32
    %convert_element_type3A_60 = arith.extui %eq3A_59 : i1 to i32
    %cond3A_61 = arith.constant 0 : i32
    %cond3A_62 = arith.cmpi ne, %convert_element_type3A_60, %cond3A_61 : i32
    scf.if %cond3A_62 {
      %mul3A_64 = arith.constant 624 : i32
      %mul3A_65 = arith.muli %arg1, %mul3A_64 : i32
      %lt3A_66 = arith.constant 15 : i32
      %lt3A_67 = arith.cmpi slt, %arg1, %lt3A_66 : i32
      %convert_element_type3A_68 = arith.extui %lt3A_67 : i1 to i32
      %cond3A_69 = arith.constant 0 : i32
      %cond3A_70 = arith.cmpi ne, %convert_element_type3A_68, %cond3A_69 : i32
      scf.if %cond3A_70 {
        "tpu.region"() ({
          %run_scoped3A = tpu.sem_alloc : memref<!tpu.dma_semaphore, #tpu.memory_space<semaphore_mem>>
          %dma_start3A = arith.constant 0 : i32
          %dma_start3A_76 = tpu.memref_slice %arg11[%mul3A_65, %dma_start3A] : memref<10000x128xf32, #tpu.memory_space<hbm>> -> memref<624x128xf32, #tpu.memory_space<hbm>>
          %dma_start3A_77 = arith.constant 0 : i32
          %dma_start3A_78 = tpu.memref_slice %arg20[%mul3A_65, %dma_start3A_77] : memref<10000x128xf32, #tpu.memory_space<vmem_shared>> -> memref<624x128xf32, #tpu.memory_space<vmem_shared>>
          tpu.enqueue_dma source(%dma_start3A_78 : memref<624x128xf32, #tpu.memory_space<vmem_shared>>) target(%dma_start3A_76 : memref<624x128xf32, #tpu.memory_space<hbm>>) target_semaphore(%run_scoped3A : memref<!tpu.dma_semaphore, #tpu.memory_space<semaphore_mem>>)
          %dma_wait3A = arith.constant 0 : i32
          %dma_wait3A_79 = tpu.memref_slice %arg11[%mul3A_65, %dma_wait3A] : memref<10000x128xf32, #tpu.memory_space<hbm>> -> memref<624x128xf32, #tpu.memory_space<hbm>>
          %dma_wait3A_80 = arith.constant 0 : i32
          %dma_wait3A_81 = tpu.memref_slice %arg20[%mul3A_65, %dma_wait3A_80] : memref<10000x128xf32, #tpu.memory_space<vmem_shared>> -> memref<624x128xf32, #tpu.memory_space<vmem_shared>>
          tpu.wait_dma2 semaphore(%run_scoped3A : memref<!tpu.dma_semaphore, #tpu.memory_space<semaphore_mem>>) src(%dma_wait3A_81 : memref<624x128xf32, #tpu.memory_space<vmem_shared>>) dst(%dma_wait3A_79 : memref<624x128xf32, #tpu.memory_space<hbm>>)
          tpu.yield
        }) : () -> ()
      } else {
      }
      %eq3A_71 = arith.constant 15 : i32
      %eq3A_72 = arith.cmpi eq, %arg1, %eq3A_71 : i32
      %convert_element_type3A_73 = arith.extui %eq3A_72 : i1 to i32
      %cond3A_74 = arith.constant 0 : i32
      %cond3A_75 = arith.cmpi ne, %convert_element_type3A_73, %cond3A_74 : i32
      scf.if %cond3A_75 {
        "tpu.region"() ({
          %run_scoped3A = tpu.sem_alloc : memref<!tpu.dma_semaphore, #tpu.memory_space<semaphore_mem>>
          %dma_start3A = arith.constant 9360 : i32
          %dma_start3A_76 = arith.constant 0 : i32
          %dma_start3A_77 = tpu.memref_slice %arg11[%dma_start3A, %dma_start3A_76] : memref<10000x128xf32, #tpu.memory_space<hbm>> -> memref<640x128xf32, #tpu.memory_space<hbm>>
          %dma_start3A_78 = arith.constant 9360 : i32
          %dma_start3A_79 = arith.constant 0 : i32
          %dma_start3A_80 = tpu.memref_slice %arg20[%dma_start3A_78, %dma_start3A_79] : memref<10000x128xf32, #tpu.memory_space<vmem_shared>> -> memref<640x128xf32, #tpu.memory_space<vmem_shared>>
          tpu.enqueue_dma source(%dma_start3A_80 : memref<640x128xf32, #tpu.memory_space<vmem_shared>>) target(%dma_start3A_77 : memref<640x128xf32, #tpu.memory_space<hbm>>) target_semaphore(%run_scoped3A : memref<!tpu.dma_semaphore, #tpu.memory_space<semaphore_mem>>)
          %dma_wait3A = arith.constant 9360 : i32
          %dma_wait3A_81 = arith.constant 0 : i32
          %dma_wait3A_82 = tpu.memref_slice %arg11[%dma_wait3A, %dma_wait3A_81] : memref<10000x128xf32, #tpu.memory_space<hbm>> -> memref<640x128xf32, #tpu.memory_space<hbm>>
          %dma_wait3A_83 = arith.constant 9360 : i32
          %dma_wait3A_84 = arith.constant 0 : i32
          %dma_wait3A_85 = tpu.memref_slice %arg20[%dma_wait3A_83, %dma_wait3A_84] : memref<10000x128xf32, #tpu.memory_space<vmem_shared>> -> memref<640x128xf32, #tpu.memory_space<vmem_shared>>
          tpu.wait_dma2 semaphore(%run_scoped3A : memref<!tpu.dma_semaphore, #tpu.memory_space<semaphore_mem>>) src(%dma_wait3A_85 : memref<640x128xf32, #tpu.memory_space<vmem_shared>>) dst(%dma_wait3A_82 : memref<640x128xf32, #tpu.memory_space<hbm>>)
          tpu.yield
        }) : () -> ()
      } else {
      }
    } else {
    }
    %barrier3A_63 = arith.constant 0 : index
    tpu.barrier barrier_id(%barrier3A_63)
    return
  }
}

module attributes {stable_mosaic.version = 14 : i64} {
  func.func @_tc_transform_body(%arg0: i32, %arg1: memref<1000x128xf32, #tpu.memory_space<vmem>>, %arg2: memref<1000x1xf32, #tpu.memory_space<vmem>>, %arg3: memref<1000x3xf32, #tpu.memory_space<vmem>>, %arg4: memref<128x128xf32, #tpu.memory_space<vmem>>, %arg5: memref<1x128xf32, #tpu.memory_space<vmem>>, %arg6: memref<1000x128xf32, #tpu.memory_space<vmem>>, %arg7: memref<1000x128xf32, #tpu.memory_space<vmem>>, %arg8: memref<1000x128xf32, #tpu.memory_space<vmem>>, %arg9: memref<1000x128xf32, #tpu.memory_space<vmem>>) attributes {dimension_semantics = [#tpu.dimension_semantics<arbitrary>], iteration_bounds = array<i64: 160>, scalar_prefetch = 0 : i64, scratch_operands = 0 : i64, tpu.core_type = #tpu.core_type<tc>, window_params = [{transform_indices = @transform_0, window_bounds = array<i64: 1000, 128>}, {transform_indices = @transform_1, window_bounds = array<i64: 1000, 1>}, {transform_indices = @transform_2, window_bounds = array<i64: 1000, 3>}, {pipeline_mode = #tpu.pipeline_mode<synchronous>, transform_indices = @transform_3, window_bounds = array<i64: 128, 128>}, {pipeline_mode = #tpu.pipeline_mode<synchronous>, transform_indices = @transform_4, window_bounds = array<i64: 1, 128>}, {transform_indices = @transform_5, window_bounds = array<i64: 1000, 128>}, {transform_indices = @transform_6, window_bounds = array<i64: 1000, 128>}, {transform_indices = @transform_7, window_bounds = array<i64: 1000, 128>}, {transform_indices = @transform_8, window_bounds = array<i64: 1000, 128>}]} {
    %get3A = arith.constant 0 : index
    %get3A_0 = arith.constant 0 : index
    %get3A_1 = vector.load %arg2[%get3A, %get3A_0] : memref<1000x1xf32, #tpu.memory_space<vmem>>, vector<1000x1xf32>
    %get3A_2 = arith.constant 0 : index
    %get3A_3 = arith.constant 0 : index
    %get3A_4 = vector.load %arg1[%get3A_2, %get3A_3] : memref<1000x128xf32, #tpu.memory_space<vmem>>, vector<1000x128xf32>
    %mul3A = vector.broadcast %get3A_1 : vector<1000x1xf32> to vector<1000x128xf32>
    %mul3A_5 = arith.mulf %get3A_4, %mul3A : vector<1000x128xf32>
    %swap3A = arith.constant 0 : index
    %swap3A_6 = arith.constant 0 : index
    %swap3A_7 = vector.load %arg6[%swap3A, %swap3A_6] : memref<1000x128xf32, #tpu.memory_space<vmem>>, vector<1000x128xf32>
    tpu.vector_store %arg6[%swap3A, %swap3A_6], %mul3A_5 {strides = array<i32>} : memref<1000x128xf32, #tpu.memory_space<vmem>>, vector<1000x128xf32>,
    %get3A_8 = arith.constant 0 : index
    %get3A_9 = arith.constant 0 : index
    %get3A_10 = vector.load %arg4[%get3A_8, %get3A_9] : memref<128x128xf32, #tpu.memory_space<vmem>>, vector<128x128xf32>
    %dot_general3A = arith.constant dense<0.000000e+00> : vector<1000x128xf32>
    %dot_general3A_11 = tpu.matmul %mul3A_5, %get3A_10, %dot_general3A {dimension_numbers = #tpu.dot_dimension_numbers<[1], [0], [0], [1], [0, 0, 1, 1], [], []>, transpose_lhs_hint = false} : vector<1000x128xf32>, vector<128x128xf32>, vector<1000x128xf32> -> vector<1000x128xf32>
    %get3A_12 = arith.constant 0 : index
    %get3A_13 = arith.constant 0 : index
    %get3A_14 = vector.load %arg3[%get3A_12, %get3A_13] : memref<1000x3xf32, #tpu.memory_space<vmem>>, vector<1000x3xf32>
    %mul3A_15 = arith.mulf %get3A_14, %get3A_14 : vector<1000x3xf32>
    %reduce_sum3A = arith.constant dense<0.000000e+00> : vector<1000xf32>
    %reduce_sum3A_16 = vector.multi_reduction <add>, %mul3A_15, %reduce_sum3A [1] : vector<1000x3xf32> to vector<1000xf32>
    %broadcast_in_dim3A = vector.shape_cast %reduce_sum3A_16 : vector<1000xf32> to vector<1000x1xf32>
    %sqrt3A = math.sqrt %broadcast_in_dim3A : vector<1000x1xf32>
    %div3A = vector.broadcast %sqrt3A : vector<1000x1xf32> to vector<1000x3xf32>
    %div3A_17 = arith.divf %get3A_14, %div3A : vector<1000x3xf32>
    %get3A_18 = arith.constant 0 : index
    %get3A_19 = arith.constant 0 : index
    %get3A_20 = vector.load %arg5[%get3A_18, %get3A_19] : memref<1x128xf32, #tpu.memory_space<vmem>>, vector<1x128xf32>
    %slice3A = vector.extract_strided_slice %div3A_17 {offsets = [0, 0], sizes = [1000, 1], strides = [1, 1]} : vector<1000x3xf32> to vector<1000x1xf32>
    %mul3A_21 = vector.broadcast %slice3A : vector<1000x1xf32> to vector<1000x128xf32>
    %mul3A_22 = arith.mulf %mul3A_21, %dot_general3A_11 : vector<1000x128xf32>
    %add3A = vector.broadcast %get3A_20 : vector<1x128xf32> to vector<1000x128xf32>
    %add3A_23 = arith.addf %mul3A_22, %add3A : vector<1000x128xf32>
    %swap3A_24 = arith.constant 0 : index
    %swap3A_25 = arith.constant 0 : index
    %swap3A_26 = vector.load %arg7[%swap3A_24, %swap3A_25] : memref<1000x128xf32, #tpu.memory_space<vmem>>, vector<1000x128xf32>
    tpu.vector_store %arg7[%swap3A_24, %swap3A_25], %add3A_23 {strides = array<i32>} : memref<1000x128xf32, #tpu.memory_space<vmem>>, vector<1000x128xf32>,
    %slice3A_27 = vector.extract_strided_slice %div3A_17 {offsets = [0, 1], sizes = [1000, 1], strides = [1, 1]} : vector<1000x3xf32> to vector<1000x1xf32>
    %mul3A_28 = vector.broadcast %slice3A_27 : vector<1000x1xf32> to vector<1000x128xf32>
    %mul3A_29 = arith.mulf %mul3A_28, %dot_general3A_11 : vector<1000x128xf32>
    %add3A_30 = vector.broadcast %get3A_20 : vector<1x128xf32> to vector<1000x128xf32>
    %add3A_31 = arith.addf %mul3A_29, %add3A_30 : vector<1000x128xf32>
    %swap3A_32 = arith.constant 0 : index
    %swap3A_33 = arith.constant 0 : index
    %swap3A_34 = vector.load %arg8[%swap3A_32, %swap3A_33] : memref<1000x128xf32, #tpu.memory_space<vmem>>, vector<1000x128xf32>
    tpu.vector_store %arg8[%swap3A_32, %swap3A_33], %add3A_31 {strides = array<i32>} : memref<1000x128xf32, #tpu.memory_space<vmem>>, vector<1000x128xf32>,
    %slice3A_35 = vector.extract_strided_slice %div3A_17 {offsets = [0, 2], sizes = [1000, 1], strides = [1, 1]} : vector<1000x3xf32> to vector<1000x1xf32>
    %mul3A_36 = vector.broadcast %slice3A_35 : vector<1000x1xf32> to vector<1000x128xf32>
    %mul3A_37 = arith.mulf %mul3A_36, %dot_general3A_11 : vector<1000x128xf32>
    %add3A_38 = vector.broadcast %get3A_20 : vector<1x128xf32> to vector<1000x128xf32>
    %add3A_39 = arith.addf %mul3A_37, %add3A_38 : vector<1000x128xf32>
    %swap3A_40 = arith.constant 0 : index
    %swap3A_41 = arith.constant 0 : index
    %swap3A_42 = vector.load %arg9[%swap3A_40, %swap3A_41] : memref<1000x128xf32, #tpu.memory_space<vmem>>, vector<1000x128xf32>
    tpu.vector_store %arg9[%swap3A_40, %swap3A_41], %add3A_39 {strides = array<i32>} : memref<1000x128xf32, #tpu.memory_space<vmem>>, vector<1000x128xf32>,
    return
  }
  func.func @transform_0(%arg0: i32) -> (i32, i32) {
    %c0_i32 = arith.constant 0 : i32
    %c0_i32_0 = arith.constant 0 : i32
    return %arg0, %c0_i32 : i32, i32
  }
  func.func @transform_1(%arg0: i32) -> (i32, i32) {
    %c0_i32 = arith.constant 0 : i32
    %c0_i32_0 = arith.constant 0 : i32
    return %arg0, %c0_i32 : i32, i32
  }
  func.func @transform_2(%arg0: i32) -> (i32, i32) {
    %c0_i32 = arith.constant 0 : i32
    %c0_i32_0 = arith.constant 0 : i32
    return %arg0, %c0_i32 : i32, i32
  }
  func.func @transform_3(%arg0: i32) -> (i32, i32) {
    %c0_i32 = arith.constant 0 : i32
    %c0_i32_0 = arith.constant 0 : i32
    %c0_i32_1 = arith.constant 0 : i32
    return %c0_i32, %c0_i32_0 : i32, i32
  }
  func.func @transform_4(%arg0: i32) -> (i32, i32) {
    %c0_i32 = arith.constant 0 : i32
    %c0_i32_0 = arith.constant 0 : i32
    %c0_i32_1 = arith.constant 0 : i32
    return %c0_i32, %c0_i32_0 : i32, i32
  }
  func.func @transform_5(%arg0: i32) -> (i32, i32) {
    %c0_i32 = arith.constant 0 : i32
    %c0_i32_0 = arith.constant 0 : i32
    return %arg0, %c0_i32 : i32, i32
  }
  func.func @transform_6(%arg0: i32) -> (i32, i32) {
    %c0_i32 = arith.constant 0 : i32
    %c0_i32_0 = arith.constant 0 : i32
    return %arg0, %c0_i32 : i32, i32
  }
  func.func @transform_7(%arg0: i32) -> (i32, i32) {
    %c0_i32 = arith.constant 0 : i32
    %c0_i32_0 = arith.constant 0 : i32
    return %arg0, %c0_i32 : i32, i32
  }
  func.func @transform_8(%arg0: i32) -> (i32, i32) {
    %c0_i32 = arith.constant 0 : i32
    %c0_i32_0 = arith.constant 0 : i32
    return %arg0, %c0_i32 : i32, i32
  }
}

module attributes {stable_mosaic.version = 14 : i64} {
  func.func @_tc_final_body(%arg0: i32, %arg1: memref<1000x128xf32, #tpu.memory_space<vmem>>, %arg2: memref<1000x128xf32, #tpu.memory_space<vmem>>, %arg3: memref<1000x128xf32, #tpu.memory_space<vmem>>, %arg4: memref<1000x128xf32, #tpu.memory_space<vmem>>, %arg5: memref<1000x256xf32, #tpu.memory_space<vmem>>) attributes {dimension_semantics = [#tpu.dimension_semantics<arbitrary>], iteration_bounds = array<i64: 10>, scalar_prefetch = 0 : i64, scratch_operands = 0 : i64, tpu.core_type = #tpu.core_type<tc>, window_params = [{transform_indices = @transform_0, window_bounds = array<i64: 1000, 128>}, {transform_indices = @transform_1, window_bounds = array<i64: 1000, 128>}, {transform_indices = @transform_2, window_bounds = array<i64: 1000, 128>}, {transform_indices = @transform_3, window_bounds = array<i64: 1000, 128>}, {transform_indices = @transform_4, window_bounds = array<i64: 1000, 256>}]} {
    %get3A = arith.constant 0 : index
    %get3A_0 = arith.constant 0 : index
    %get3A_1 = vector.load %arg2[%get3A, %get3A_0] : memref<1000x128xf32, #tpu.memory_space<vmem>>, vector<1000x128xf32>
    %get3A_2 = arith.constant 0 : index
    %get3A_3 = arith.constant 0 : index
    %get3A_4 = vector.load %arg3[%get3A_2, %get3A_3] : memref<1000x128xf32, #tpu.memory_space<vmem>>, vector<1000x128xf32>
    %get3A_5 = arith.constant 0 : index
    %get3A_6 = arith.constant 0 : index
    %get3A_7 = vector.load %arg4[%get3A_5, %get3A_6] : memref<1000x128xf32, #tpu.memory_space<vmem>>, vector<1000x128xf32>
    %mul3A = arith.mulf %get3A_1, %get3A_1 : vector<1000x128xf32>
    %mul3A_8 = arith.mulf %get3A_4, %get3A_4 : vector<1000x128xf32>
    %add3A = arith.addf %mul3A, %mul3A_8 : vector<1000x128xf32>
    %mul3A_9 = arith.mulf %get3A_7, %get3A_7 : vector<1000x128xf32>
    %add3A_10 = arith.addf %add3A, %mul3A_9 : vector<1000x128xf32>
    %sqrt3A = math.sqrt %add3A_10 : vector<1000x128xf32>
    %swap3A = arith.constant 0 : index
    %swap3A_11 = arith.constant 0 : index
    %swap3A_12 = vector.load %arg5[%swap3A, %swap3A_11] : memref<1000x256xf32, #tpu.memory_space<vmem>>, vector<1000x128xf32>
    tpu.vector_store %arg5[%swap3A, %swap3A_11], %sqrt3A {strides = array<i32>} : memref<1000x256xf32, #tpu.memory_space<vmem>>, vector<1000x128xf32>,
    %get3A_13 = arith.constant 0 : index
    %get3A_14 = arith.constant 0 : index
    %get3A_15 = vector.load %arg1[%get3A_13, %get3A_14] : memref<1000x128xf32, #tpu.memory_space<vmem>>, vector<1000x128xf32>
    %swap3A_16 = arith.constant 0 : index
    %swap3A_17 = arith.constant 128 : index
    %swap3A_18 = vector.load %arg5[%swap3A_16, %swap3A_17] : memref<1000x256xf32, #tpu.memory_space<vmem>>, vector<1000x128xf32>
    tpu.vector_store %arg5[%swap3A_16, %swap3A_17], %get3A_15 {strides = array<i32>} : memref<1000x256xf32, #tpu.memory_space<vmem>>, vector<1000x128xf32>,
    return
  }
  func.func @transform_0(%arg0: i32) -> (i32, i32) {
    %c0_i32 = arith.constant 0 : i32
    %c0_i32_0 = arith.constant 0 : i32
    return %arg0, %c0_i32 : i32, i32
  }
  func.func @transform_1(%arg0: i32) -> (i32, i32) {
    %c0_i32 = arith.constant 0 : i32
    %c0_i32_0 = arith.constant 0 : i32
    return %arg0, %c0_i32 : i32, i32
  }
  func.func @transform_2(%arg0: i32) -> (i32, i32) {
    %c0_i32 = arith.constant 0 : i32
    %c0_i32_0 = arith.constant 0 : i32
    return %arg0, %c0_i32 : i32, i32
  }
  func.func @transform_3(%arg0: i32) -> (i32, i32) {
    %c0_i32 = arith.constant 0 : i32
    %c0_i32_0 = arith.constant 0 : i32
    return %arg0, %c0_i32 : i32, i32
  }
  func.func @transform_4(%arg0: i32) -> (i32, i32) {
    %c0_i32 = arith.constant 0 : i32
    %c0_i32_0 = arith.constant 0 : i32
    return %arg0, %c0_i32 : i32, i32
  }
}

</mosaic_0001>

<sc_bundles>
// kernel: kernel.6.cloned.1.call-start
scs
__scs_entry_jumppad:
0x0: {  	(pc) =	sbr.rel $0x88, $3  }
0x1: {  	(tag) =	ssettag $0x0;
	lr =	simm.s32 $0x1  }
0x2: {  	[smem:$0x3F9B] =	sst lr;
	_ =	strace $0xD0000000  }
0x3: {  	_ = 	snop  }
0x4: {  	_ = 	snop  }
0x5: {  	_ = 	snop  }
0x6: {  	_ = 	snop  }
0x7: {  	_ = 	snop  }
__scs_overlays_trampoline_lowered:
0x8: {  	[smem:$0x3FAA] =	sst s0  }
0x9: {  	[smem:$0x3FAB] =	sst s1  }
0xa: {  	[smem:$0x3FAC] =	sst s2  }
0xb: {  	[smem:$0x3FAD] =	sst s3  }
0xc: {  	[smem:$0x3FAE] =	sst s4  }
0xd: {  	[smem:$0x3FAF] =	sst s5  }
0xe: {  	[smem:$0x3FB0] =	sst s6  }
0xf: {  	[smem:$0x3FB1] =	sst s7  }
0x10: {  	[smem:$0x3FB2] =	sst s8  }
0x11: {  	[smem:$0x3FB3] =	sst s9;
	s0 =	simm.s32 @!p0 $0x0  }
0x12: {  	s1 =	sld [smem:$0x3F99];
	s0 =	simm.s32 @p0 $0x1  }
0x13: {  	[smem:$0x3FB4] =	sst s0;
	s0 =	simm.s32 @!p1 $0x0  }
0x14: {  	s2 =	sld [smem:$0x3F98];
	s0 =	simm.s32 @p1 $0x1  }
0x15: {  	[smem:$0x3FB5] =	sst s0;
	s0 =	simm.s32 @!p2 $0x0  }
0x16: {  	s3 =	sld [smem:$0x3FDB];
	s0 =	simm.s32 @p2 $0x1  }
0x17: {  	s4 =	simm.s32 $0x1BF5;
	[smem:$0x3FB7] =	sst s0  }
0x18: {  	s0 =	sld [smem:$0x3F9A];
	_ =	swait.ge [sflag:s4], $0x0  }
0x19: {  	s7 =	sld [smem:$0x3F9B]  }
0x1a: {  	s8 =	sadd.s32 $0xFFFFE003, lr  }
0x1b: {  	s9 =	sadd.s32 $0xFFFFFEF7, lr;
	s5 =	simm.s32 $0xFFFFFFFF;
	p2 =	slt.u32 s8, $0xFFFFF086  }
0x1c: {  	p1 =	slt.u32 s9, $0xF7A;
	s5 =	simm.s32 @!p2 $0x0  }
0x1d: {  	s5 =	simm.s32 @p1 $0x1;
	p0 =	seq.s32 s7, s2  }
0x1e: {  	s7 =	smul.u32 @!p0 $0xF7A, s2;
	p2 =	seq.s32 @!p0 s5, $0x0  }
0x1f: {  	s9 =	smul.u32 $0xF7A, s1;
	s8 =	simm.s32 @!p0 $0x1BF5;
	p2 =	por !p2, p0  }
0x20: {  	[sflag:s8] =	ssyncset.s32 @!p0 $0xFFFFF086;
	s6 =	sadd.s32 @!p0 s3, s7;
	s7 =	simm.s32 @!p0 $0x108  }
0x21: {  	s3 =	sadd.s32 s3, s9;
	s6 =	sadd.s32 @!p0 $0x88, s6;
	s7 =	simm.s32 @p2 $0x1082  }
0x22: {  	[simem:s7], [sflag:s8] =	dma.local @!p0 [hbm:s6], $0xF7A  }
0x23: {  	s9 =	sor.u32 $0xD0000000, s2;
	s6 =	simm.s32 $0x108;
	_ =	swait.ge @!p0 [sflag:s8], $0x0  }
0x24: {  	s3 =	sadd.s32 $0x88, s3;
	s6 =	simm.s32 @!p1 $0x1082;
	[sflag:s4] =	ssyncset.s32 $0xFFFFF086  }
0x25: {  	[simem:s6], [sflag:s4] =	dma.local [hbm:s3], $0xF7A  }
0x26: {  	[smem:$0x3F9B] =	sst s1;
	(tag) =	ssettag s2;
	_ =	strace s9  }
0x27: {  	s1 =	sld [smem:$0x3FAB]  }
0x28: {  	s2 =	sld [smem:$0x3FAC]  }
0x29: {  	s4 =	sld [smem:$0x3FAE]  }
0x2a: {  	p0 =	seq.s32 s5, $0x0;
	s5 =	sld [smem:$0x3FAF]  }
0x2b: {  	s6 =	sld [smem:$0x3FB0]  }
0x2c: {  	s7 =	sld [smem:$0x3FB1]  }
0x2d: {  	s3 =	simm.s32 $0x108;
	s8 =	sld [smem:$0x3FB2]  }
0x2e: {  	s3 =	simm.s32 @!p0 $0x1082;
	s9 =	sld [smem:$0x3FB3]  }
0x2f: {  	lr =	sadd.s32 s0, s3;
	s0 =	sld [smem:$0x3FAA]  }
0x30: {  	s3 =	sld [smem:$0x3FAD]  }
0x31: {  	[smem:$0x3FB6] =	sst s10  }
0x32: {  	s10 =	sld [smem:$0x3FB4];
	_ =	sdelay $0x3  }
0x33: {  	p0 =	seq.s32 s10, $0x1;
	s10 =	sld [smem:$0x3FB6];
	_ =	sdelay $0x3  }
0x34: {  	[smem:$0x3FB6] =	sst s10  }
0x35: {  	s10 =	sld [smem:$0x3FB5];
	_ =	sdelay $0x3  }
0x36: {  	p1 =	seq.s32 s10, $0x1;
	s10 =	sld [smem:$0x3FB6];
	_ =	sdelay $0x3  }
0x37: {  	[smem:$0x3FB6] =	sst s10  }
0x38: {  	s10 =	sld [smem:$0x3FB7]  }
0x39: {  	_ = 	snop;
	(pc) =	sbr.ind lr, $3  }
0x3a: {  	_ = 	snop  }
0x3b: {  	_ = 	snop  }
0x3c: {  	p2 =	seq.s32 s10, $0x1;
	s10 =	sld [smem:$0x3FB6]  }
0x3d: {  	_ =	shalt  }
0x3e: {  	_ =	shalt  }
0x3f: {  	_ =	shalt  }
0x40: {  	_ =	shalt  }
0x41: {  	_ =	shalt  }
0x42: {  	_ =	shalt  }
0x43: {  	_ =	shalt  }
0x44: {  	_ =	shalt  }
0x45: {  	_ =	shalt  }
0x46: {  	_ =	shalt  }
0x47: {  	_ =	shalt  }
0x48: {  	_ =	shalt  }
0x49: {  	_ =	shalt  }
0x4a: {  	_ =	shalt  }
0x4b: {  	_ =	shalt  }
0x4c: {  	_ =	shalt  }
0x4d: {  	_ =	shalt  }
0x4e: {  	_ =	shalt  }
0x4f: {  	_ =	shalt  }
0x50: {  	_ =	shalt  }
0x51: {  	_ =	shalt  }
0x52: {  	_ =	shalt  }
0x53: {  	_ =	shalt  }
0x54: {  	_ =	shalt  }
0x55: {  	_ =	shalt  }
0x56: {  	_ =	shalt  }
0x57: {  	_ =	shalt  }
0x58: {  	_ =	shalt  }
0x59: {  	_ =	shalt  }
0x5a: {  	_ =	shalt  }
0x5b: {  	_ =	shalt  }
0x5c: {  	_ =	shalt  }
0x5d: {  	_ =	shalt  }
0x5e: {  	_ =	shalt  }
0x5f: {  	_ =	shalt  }
0x60: {  	_ =	shalt  }
0x61: {  	_ =	shalt  }
0x62: {  	_ =	shalt  }
0x63: {  	_ =	shalt  }
0x64: {  	_ =	shalt  }
0x65: {  	_ =	shalt  }
0x66: {  	_ =	shalt  }
0x67: {  	_ =	shalt  }
0x68: {  	_ =	shalt  }
0x69: {  	_ =	shalt  }
0x6a: {  	_ =	shalt  }
0x6b: {  	_ =	shalt  }
0x6c: {  	_ =	shalt  }
0x6d: {  	_ =	shalt  }
0x6e: {  	_ =	shalt  }
0x6f: {  	_ =	shalt  }
0x70: {  	_ =	shalt  }
0x71: {  	_ =	shalt  }
0x72: {  	_ =	shalt  }
0x73: {  	_ =	shalt  }
0x74: {  	_ =	shalt  }
0x75: {  	_ =	shalt  }
0x76: {  	_ =	shalt  }
0x77: {  	_ =	shalt  }
0x78: {  	_ =	shalt  }
0x79: {  	_ =	shalt  }
0x7a: {  	_ =	shalt  }
0x7b: {  	_ =	shalt  }
0x7c: {  	_ =	shalt  }
0x7d: {  	_ =	shalt  }
0x7e: {  	_ =	shalt  }
0x7f: {  	_ =	shalt  }
0x80: {  	_ =	shalt  }
0x81: {  	_ =	shalt  }
0x82: {  	_ =	shalt  }
0x83: {  	_ =	shalt  }
0x84: {  	_ =	shalt  }
0x85: {  	_ =	shalt  }
0x86: {  	_ =	shalt  }
0x87: {  	_ =	shalt  }
.Lfunc_end0:
.L_simem_size_0:
called_computation_lowered:
.L_overlay_start_0:
0x88: {  	s2 =	sld [smem:$0x3FD9]  }
0x89: {  	s3 =	sld [smem:$0x3FFE];
	_ =	sdelay $0x1  }
0x8a: {  	s1 =	srdreg.scid  }
0x8b: {  	s0 =	sand.u32 $0x1, s1  }
0x8c: {  	s17 =	sshll.u32 s0, $0xA;
	s2 =	sadd.s32 s3, s2  }
0x8d: {  	s2 =	sadd.s32 s2, s17  }
0x8e: {  	[smem:$0x3FC2] =	sst s2  }
0x8f: {  	_ = 	snop  }
0x90: {  	s2 =	sld [smem:$0x3FC9]  }
0x91: {  	s18 =	sld [smem:$0x3FD0];
	(tm) =	ssettm $0x1  }
0x92: {  	s4 =	sld [smem:$0x3FFB];
	_ =	sdelay $0x3  }
0x93: {  	_ =	strace s4  }
0x94: {  	s4 =	sld [smem:$0x3FFC];
	_ =	sdelay $0x3  }
0x95: {  	_ =	strace s4  }
0x96: {  	s4 =	sld [smem:$0x3FFD];
	_ =	sdelay $0x3  }
0x97: {  	_ =	strace s4  }
0x98: {  	_ =	strace $0x8FFFFFFF  }
0x99: {  	s19 =	sld [smem:$0x3FDB];
	_ =	sdelay $0x1  }
0x9a: {  	s5 =	simm.s32 $_scs_section_size  }
0x9b: {  	s6 =	simm.s32 $_size__tile_overlayer_lowered;
	s7 =	simm.s32 $_tile_overlayer_lowered  }
0x9c: {  	s22 =	simm.s32 $0x1BFF;
	s21 =	sshll.u32 s7, $0x1;
	s4 =	sadd.s32 s5, s19  }
0x9d: {  	s8 =	simm.s32 $0x0;
	s20 =	sshll.u32 s6, $0x1;
	s6 =	sadd.s32 s21, s4  }
0x9e: {  	[timem:s8], [sflag:s22] =	dma.local [hbm:s6], s20  }
0x9f: {  	_ =	swait.ge [sflag:s22], s20  }
0xa0: {  	s5 =	ssub.s32 $0x0, s20;
	[sflag:s22] =	ssyncset.done $0x0  }
0xa1: {  	[sflag:s22] =	ssyncadd.s32 s5;
	_ =	sdelay $0x1  }
0xa2: {  	s23 =	simm.s32 $0x1B8B  }
0xa3: {  	_ =	swait.ge [sflag:s23], $0x1  }
0xa4: {  	[sflag:s23] =	ssyncset.done $0x0  }
0xa5: {  	s25 =	simm.s32 $0x1B8E;
	s24 =	sld [smem:$0x3FFE];
	[sflag:s23] =	ssyncadd.s32 $0xFFFFFFFF  }
0xa6: {  	s26 =	simm.s32 $execute0_lowered;
	[smem:$0x3FD2] =	sst s25  }
0xa7: {  	s6 =	sshll.u32 s26, $0x1;
	_ =	strace $0x80000046;
	[dreg:$0x1] =	wrdreg $0xFFFFFFFF  }
0xa8: {  	s28 =	simm.s32 $_size_execute0_lowered;
	s4 =	sadd.s32 s4, s6;
	[dreg:$0x0] =	wrdreg $0x0  }
0xa9: {  	s6 =	sshll.u32 s28, $0x1;
	[dreg:$0x2] =	wrdreg s4  }
0xaa: {  	[dreg:$0x3] =	wrdreg s6  }
0xab: {  	[dreg:$0x4] =	wrdreg $0xC0  }
0xac: {  	_ =	task [dreg:s8], $0x5FFFF  }
0xad: {  	[dreg:$0x1] =	wrdreg $0xFFFFFFFF  }
0xae: {  	[dreg:$0x0] =	wrdreg $0x60  }
0xaf: {  	[dreg:$0x2] =	wrdreg s2  }
0xb0: {  	[dreg:$0x3] =	wrdreg s18  }
0xb1: {  	[dreg:$0x4] =	wrdreg s24  }
0xb2: {  	[dreg:$0x5] =	wrdreg $0x9  }
0xb3: {  	_ =	task.clear_ibuf [dreg:s8], $0x6FFFF;
	_ =	strace $0x90000046  }
0xb4: {  	s29 =	simm.s32 $0x9;
	_ =	strace $0x80000048  }
0xb5: {  	_ =	swait.ge [sflag:s29], $0x1  }
0xb6: {  	[sflag:s29] =	ssyncadd.s32 $0xFFFFFFFF  }
0xb7: {  	_ =	strace $0x90000048  }
0xb8: {  	_ =	sfence  }
0xb9: {  	s30 =	sld [smem:$0x0];
	_ =	sdelay $0x2  }
0xba: {  	s31 =	sshll.u32 s1, $0xD;
	s1 =	sshrl.u32 s1, $0x2  }
0xbb: {  	s3 =	sand.u32 $0x4000, s31;
	s1 =	sadd.s32 s1, s30  }
0xbc: {  	s0 =	sor.u32 s3, s0;
	s1 =	sshll.u32 s1, $0x11  }
0xbd: {  	s0 =	sor.u32 s1, s0  }
0xbe: {  	s0 =	sadd.s32 $0x8F2B, s0  }
0xbf: {  	[sflag:s0] =	ssyncadd.remote.s32 $0x1  }
0xc0: {  	_ =	sfence.sel $0xFFFF  }
0xc1: {  	[dreg:$0x0] =	wrdreg $0xFFFFFFFF;
	(pc) =	sbr.abs _section_cstart, $3  }
0xc2: {  	[dreg:$0x1] =	wrdreg $0xFFFFFFFF  }
0xc3: {  	_ =	task.clear_ibuf [dreg:s8], $0x2FFFF;
	_ =	strace $0x9FFFFFFF  }
0xc4: {  	(tm) =	ssettm $0x7FFFFFFF  }
0xc5: {  	_ =	shalt  }
tec
execute0_lowered:
.L_overlay_start_1:
0x0: {  	(tag) =	ssettag $0x1  }
0x1: {  	s1 =	rddreg [dreg:$0x0]  }
0x2: {  	s8 =	rddreg [dreg:$0x1];
	s2 =	srdreg.scid  }
0x3: {  	s0 =	stileid.u32;
	s4 =	rddreg [dreg:$0x2]  }
0x4: {  	s3 =	simm.s32 $0x0;
	s14 =	simm.s32 $0x0;
	s5 =	sand.u32 $0x1, s2  }
0x5: {  	s6 =	sshll.u32 s0, $0x1;
	s2 =	rddreg [dreg:$0x3];
	s9 =	smul.u32 $0x2710, s0  }
0x6: {  	[smem:$0x7FF] =	sst s3;
	s31 =	smul.u32 $0x27100, s0;
	s6 =	sor.u32 s5, s6  }
0x7: {  	s7 =	sadd.s32 $0x6600, s4;
	s30 =	ssub.s32 $0x2, s5;
	s6 =	smul.u32 $0x1388, s6  }
0x8: {  	_ =	strace $0x80000047;
	s12 =	smul.u32 $0x1388, s5;
	s10 =	sshrl.u32 s30, $0x1  }
0x9: {  	s13 =	smul.u32 $0x13880, s5;
	s10 =	ssub.s32 s30, s10;
	s6 =	sadd.s32 $0x1380, s6  }
0xa: {  	s9 =	sadd.s32 s12, s9;
	s12 =	simm.s32 $0x1;
	s11 =	sshrl.u32 s6, $0x3  }
0xb: {  	s9 =	sshrl.u32 s9, $0x3;
	s6 =	sshll.u32 s6, $0x4;
	s4 =	sadd.s32 s8, s11  }
0xc: {  	s5 =	sadd.s32 s7, s6;
	s7 =	sadd.s32 s31, s7;
	s6 =	smax.u32 s10, $0x1  }
0xd: {  	s8 =	sadd.s32 s9, s8;
	s9 =	simm.s32 $0x2;
	s10 =	simm.s32 $0x80  }
0xe: {  	s11 =	simm.s32 $0x100;
	s7 =	sadd.s32 s13, s7;
	s13 =	simm.s32 $0x8  }
.LBB2_1:
0xf: {  	s15 =	sadd.s32 $0x0, s8  }
0x10: {  	[tilespmem:s3], [sflag:$0x2] =	stream.linear.gather [hbm4b:s15+s3], $0x80, $0x38;
	[tilespmem:$0x4100] =	vst v63  }
0x11: {  	_ =	swait.ge [sflag:s9], $0x80  }
0x12: {  	[sflag:s9] =	ssyncset.done $0x0  }
0x13: {  	[sflag:s9] =	ssyncadd.s32 $0xFFFFFF80  }
0x14: {  	[tilespmem:s11], [sflag:$0x1] =	stream.indirect.gather [hbm4b:s1+s10], $0x80, s3, s10, $0xb8;
	[tilespmem:$0x4100] =	vst v63  }
0x15: {  	_ =	swait.ge [sflag:s12], $0x4000  }
0x16: {  	[sflag:s12] =	ssyncset.done $0x0  }
0x17: {  	[sflag:s12] =	ssyncadd.s32 $0xFFFFC000  }
0x18: {  	[hbm4b:s7+s3] =	stream.linear.scatter [tilespmem:s11], [sflag:$0x2], $0x4000, $0x38;
	[tilespmem:$0x4100] =	vst v63  }
0x19: {  	s16 =	simm.s32 $0x10;
	_ =	swait.ge [sflag:s9], $0x4000  }
0x1a: {  	s17 =	simm.s32 $0x20;
	s15 =	sadd.s32 $0x800, s7;
	[sflag:s9] =	ssyncset.done $0x0  }
.LBB2_2:
0x1b: {  	s18 =	sadd.s32 s16, s8  }
0x1c: {  	[sflag:s9] =	ssyncadd.s32 $0xFFFFC000;
	s16 =	smov.u32 s17;
	s19 =	sadd.s32 $0x10, s17  }
0x1d: {  	[tilespmem:s3], [sflag:$0x2] =	stream.linear.gather [hbm4b:s18+s3], $0x80, $0x38;
	[tilespmem:$0x4100] =	vst v63  }
0x1e: {  	p0 =	sne.s32 s17, $0x260;
	_ =	swait.ge [sflag:s9], $0x80  }
0x1f: {  	[sflag:s9] =	ssyncset.done $0x0  }
0x20: {  	[sflag:s9] =	ssyncadd.s32 $0xFFFFFF80  }
0x21: {  	[tilespmem:s11], [sflag:$0x1] =	stream.indirect.gather [hbm4b:s1+s10], $0x80, s3, s10, $0xb8;
	[tilespmem:$0x4100] =	vst v63  }
0x22: {  	_ =	swait.ge [sflag:s12], $0x4000  }
.Ltmp0:
0x23: {  	[sflag:s12] =	ssyncset.done $0x0;
	(pc) =	sbr.rel @p0 .LBB2_2-.Ltmp0, $4  }
0x24: {  	[sflag:s12] =	ssyncadd.s32 $0xFFFFC000  }
0x25: {  	[hbm4b:s15+s3] =	stream.linear.scatter [tilespmem:s11], [sflag:$0x2], $0x4000, $0x38;
	[tilespmem:$0x4100] =	vst v63  }
0x26: {  	_ =	swait.ge [sflag:s9], $0x4000  }
0x27: {  	s17 =	smov.u32 s19;
	s15 =	sadd.s32 $0x800, s15;
	[sflag:s9] =	ssyncset.done $0x0  }
0x28: {  	s16 =	sadd.s32 s16, s8;
	[sflag:s9] =	ssyncadd.s32 $0xFFFFC000  }
0x29: {  	[tilespmem:s3], [sflag:$0x2] =	stream.linear.gather [hbm4b:s16+s3], $0x80, $0x38;
	[tilespmem:$0x4100] =	vst v63  }
0x2a: {  	_ =	swait.ge [sflag:s9], $0x80  }
0x2b: {  	[sflag:s9] =	ssyncset.done $0x0  }
0x2c: {  	[sflag:s9] =	ssyncadd.s32 $0xFFFFFF80  }
0x2d: {  	[tilespmem:s11], [sflag:$0x1] =	stream.indirect.gather [hbm4b:s1+s10], $0x80, s3, s10, $0xb8;
	[tilespmem:$0x4100] =	vst v63  }
0x2e: {  	_ =	swait.ge [sflag:s12], $0x4000  }
0x2f: {  	[sflag:s12] =	ssyncset.done $0x0  }
0x30: {  	[sflag:s12] =	ssyncadd.s32 $0xFFFFC000  }
0x31: {  	[hbm4b:s15+s3] =	stream.linear.scatter [tilespmem:s11], [sflag:$0x2], $0x4000, $0x38;
	[tilespmem:$0x4100] =	vst v63  }
0x32: {  	_ =	swait.ge [sflag:s9], $0x4000  }
0x33: {  	[sflag:s9] =	ssyncset.done $0x0  }
0x34: {  	[sflag:s9] =	ssyncadd.s32 $0xFFFFC000  }
0x35: {  	[tilespmem:s10], [sflag:$0x2] =	stream.linear.gather [hbm4b:s4+s3], $0x8, $0x38;
	[tilespmem:$0x4100] =	vst v63  }
0x36: {  	_ =	swait.ge [sflag:s9], $0x8  }
0x37: {  	[sflag:s9] =	ssyncset.done $0x0  }
0x38: {  	[sflag:s9] =	ssyncadd.s32 $0xFFFFFFF8  }
0x39: {  	[tilespmem:s11], [sflag:$0x1] =	stream.indirect.gather [hbm4b:s1+s13], $0x80, s10, s13, $0xb8;
	[tilespmem:$0x4100] =	vst v63  }
0x3a: {  	s14 =	sadd.s32 $0x1, s14;
	_ =	swait.ge [sflag:s12], $0x400  }
0x3b: {  	p0 =	sne.s32 s14, s6;
	[sflag:s12] =	ssyncset.done $0x0  }
.Ltmp1:
0x3c: {  	[sflag:s12] =	ssyncadd.s32 $0xFFFFFC00;
	(pc) =	sbr.rel @p0 .LBB2_1-.Ltmp1, $4  }
0x3d: {  	[hbm4b:s5+s3] =	stream.linear.scatter [tilespmem:s11], [sflag:$0x2], $0x400, $0x38;
	[tilespmem:$0x4100] =	vst v63  }
0x3e: {  	_ =	swait.ge [sflag:s9], $0x400  }
0x3f: {  	[sflag:s9] =	ssyncset.done $0x0  }
0x40: {  	[sflag:s9] =	ssyncadd.s32 $0xFFFFFC00  }
0x41: {  	_ =	sfence.sel $0x180000  }
0x42: {  	[bflag:$0x0] =	sbarrier.arrive $0xFFFF  }
0x43: {  	p0 =	sne.s32 s0, $0x0;
	_ =	strace $0x90000047  }
0x44: {  	s0 =	sadd.s32 @!p0 $0x100000, s2;
	[bflag:$0x2] =	sbarrier.arrive $0xFFFF  }
0x45: {  	[sflag:s0] =	ssyncadd.tile.s32 @!p0 $0x1;
	_ =	shalt  }
.Lfunc_end2:
_tile_overlayer_lowered:
.L_overlay_start_2:
0x46: {  	(tag) =	ssettag $0x2  }
0x47: {  	s0 =	rddreg [dreg:$0x0];
	s2 =	stileid.u32  }
0x48: {  	s1 =	rddreg [dreg:$0x1];
	p0 =	sne.s32 s2, $0x0  }
0x49: {  	s3 =	rddreg [dreg:$0x2];
	[bflag:$0x3] =	sbarrier.arrive $0xFFFF;
	s2 =	simm.s32 @!p0 $0x1C02  }
0x4a: {  	[timem:s3], [sflag:s2] =	dma.local @!p0 [hbm:s0], s1  }
0x4b: {  	s0 =	simm.s32 @!p0 $0x2  }
0x4c: {  	_ =	swait.ge @!p0 [sflag:s0], s1  }
0x4d: {  	s1 =	ssub.s32 @!p0 $0x0, s1;
	[sflag:s0] =	ssyncset.done @!p0 $0x0  }
0x4e: {  	[sflag:s0] =	ssyncadd.s32 @!p0 s1  }
0x4f: {  	[bflag:$0x3] =	sbarrier.arrive $0xFFFF  }
0x50: {  	_ =	shalt  }

// kernel: kernel.9.cloned.1.call-start
scs
__scs_entry_jumppad:
0x0: {  	(pc) =	sbr.rel $0x88, $3  }
0x1: {  	(tag) =	ssettag $0x0;
	lr =	simm.s32 $0x1  }
0x2: {  	[smem:$0x3F9B] =	sst lr;
	_ =	strace $0xD0000000  }
0x3: {  	_ = 	snop  }
0x4: {  	_ = 	snop  }
0x5: {  	_ = 	snop  }
0x6: {  	_ = 	snop  }
0x7: {  	_ = 	snop  }
__scs_overlays_trampoline_lowered:
0x8: {  	[smem:$0x3FAA] =	sst s0  }
0x9: {  	[smem:$0x3FAB] =	sst s1  }
0xa: {  	[smem:$0x3FAC] =	sst s2  }
0xb: {  	[smem:$0x3FAD] =	sst s3  }
0xc: {  	[smem:$0x3FAE] =	sst s4  }
0xd: {  	[smem:$0x3FAF] =	sst s5  }
0xe: {  	[smem:$0x3FB0] =	sst s6  }
0xf: {  	[smem:$0x3FB1] =	sst s7  }
0x10: {  	[smem:$0x3FB2] =	sst s8  }
0x11: {  	[smem:$0x3FB3] =	sst s9;
	s0 =	simm.s32 @!p0 $0x0  }
0x12: {  	s1 =	sld [smem:$0x3F99];
	s0 =	simm.s32 @p0 $0x1  }
0x13: {  	[smem:$0x3FB4] =	sst s0;
	s0 =	simm.s32 @!p1 $0x0  }
0x14: {  	s2 =	sld [smem:$0x3F98];
	s0 =	simm.s32 @p1 $0x1  }
0x15: {  	[smem:$0x3FB5] =	sst s0;
	s0 =	simm.s32 @!p2 $0x0  }
0x16: {  	s3 =	sld [smem:$0x3FDB];
	s0 =	simm.s32 @p2 $0x1  }
0x17: {  	s4 =	simm.s32 $0x1BF5;
	[smem:$0x3FB7] =	sst s0  }
0x18: {  	s0 =	sld [smem:$0x3F9A];
	_ =	swait.ge [sflag:s4], $0x0  }
0x19: {  	s7 =	sld [smem:$0x3F9B]  }
0x1a: {  	s8 =	sadd.s32 $0xFFFFE003, lr  }
0x1b: {  	s9 =	sadd.s32 $0xFFFFFEF7, lr;
	s5 =	simm.s32 $0xFFFFFFFF;
	p2 =	slt.u32 s8, $0xFFFFF086  }
0x1c: {  	p1 =	slt.u32 s9, $0xF7A;
	s5 =	simm.s32 @!p2 $0x0  }
0x1d: {  	s5 =	simm.s32 @p1 $0x1;
	p0 =	seq.s32 s7, s2  }
0x1e: {  	s7 =	smul.u32 @!p0 $0xF7A, s2;
	p2 =	seq.s32 @!p0 s5, $0x0  }
0x1f: {  	s9 =	smul.u32 $0xF7A, s1;
	s8 =	simm.s32 @!p0 $0x1BF5;
	p2 =	por !p2, p0  }
0x20: {  	[sflag:s8] =	ssyncset.s32 @!p0 $0xFFFFF086;
	s6 =	sadd.s32 @!p0 s3, s7;
	s7 =	simm.s32 @!p0 $0x108  }
0x21: {  	s3 =	sadd.s32 s3, s9;
	s6 =	sadd.s32 @!p0 $0x88, s6;
	s7 =	simm.s32 @p2 $0x1082  }
0x22: {  	[simem:s7], [sflag:s8] =	dma.local @!p0 [hbm:s6], $0xF7A  }
0x23: {  	s9 =	sor.u32 $0xD0000000, s2;
	s6 =	simm.s32 $0x108;
	_ =	swait.ge @!p0 [sflag:s8], $0x0  }
0x24: {  	s3 =	sadd.s32 $0x88, s3;
	s6 =	simm.s32 @!p1 $0x1082;
	[sflag:s4] =	ssyncset.s32 $0xFFFFF086  }
0x25: {  	[simem:s6], [sflag:s4] =	dma.local [hbm:s3], $0xF7A  }
0x26: {  	[smem:$0x3F9B] =	sst s1;
	(tag) =	ssettag s2;
	_ =	strace s9  }
0x27: {  	s1 =	sld [smem:$0x3FAB]  }
0x28: {  	s2 =	sld [smem:$0x3FAC]  }
0x29: {  	s4 =	sld [smem:$0x3FAE]  }
0x2a: {  	p0 =	seq.s32 s5, $0x0;
	s5 =	sld [smem:$0x3FAF]  }
0x2b: {  	s6 =	sld [smem:$0x3FB0]  }
0x2c: {  	s7 =	sld [smem:$0x3FB1]  }
0x2d: {  	s3 =	simm.s32 $0x108;
	s8 =	sld [smem:$0x3FB2]  }
0x2e: {  	s3 =	simm.s32 @!p0 $0x1082;
	s9 =	sld [smem:$0x3FB3]  }
0x2f: {  	lr =	sadd.s32 s0, s3;
	s0 =	sld [smem:$0x3FAA]  }
0x30: {  	s3 =	sld [smem:$0x3FAD]  }
0x31: {  	[smem:$0x3FB6] =	sst s10  }
0x32: {  	s10 =	sld [smem:$0x3FB4];
	_ =	sdelay $0x3  }
0x33: {  	p0 =	seq.s32 s10, $0x1;
	s10 =	sld [smem:$0x3FB6];
	_ =	sdelay $0x3  }
0x34: {  	[smem:$0x3FB6] =	sst s10  }
0x35: {  	s10 =	sld [smem:$0x3FB5];
	_ =	sdelay $0x3  }
0x36: {  	p1 =	seq.s32 s10, $0x1;
	s10 =	sld [smem:$0x3FB6];
	_ =	sdelay $0x3  }
0x37: {  	[smem:$0x3FB6] =	sst s10  }
0x38: {  	s10 =	sld [smem:$0x3FB7]  }
0x39: {  	_ = 	snop;
	(pc) =	sbr.ind lr, $3  }
0x3a: {  	_ = 	snop  }
0x3b: {  	_ = 	snop  }
0x3c: {  	p2 =	seq.s32 s10, $0x1;
	s10 =	sld [smem:$0x3FB6]  }
0x3d: {  	_ =	shalt  }
0x3e: {  	_ =	shalt  }
0x3f: {  	_ =	shalt  }
0x40: {  	_ =	shalt  }
0x41: {  	_ =	shalt  }
0x42: {  	_ =	shalt  }
0x43: {  	_ =	shalt  }
0x44: {  	_ =	shalt  }
0x45: {  	_ =	shalt  }
0x46: {  	_ =	shalt  }
0x47: {  	_ =	shalt  }
0x48: {  	_ =	shalt  }
0x49: {  	_ =	shalt  }
0x4a: {  	_ =	shalt  }
0x4b: {  	_ =	shalt  }
0x4c: {  	_ =	shalt  }
0x4d: {  	_ =	shalt  }
0x4e: {  	_ =	shalt  }
0x4f: {  	_ =	shalt  }
0x50: {  	_ =	shalt  }
0x51: {  	_ =	shalt  }
0x52: {  	_ =	shalt  }
0x53: {  	_ =	shalt  }
0x54: {  	_ =	shalt  }
0x55: {  	_ =	shalt  }
0x56: {  	_ =	shalt  }
0x57: {  	_ =	shalt  }
0x58: {  	_ =	shalt  }
0x59: {  	_ =	shalt  }
0x5a: {  	_ =	shalt  }
0x5b: {  	_ =	shalt  }
0x5c: {  	_ =	shalt  }
0x5d: {  	_ =	shalt  }
0x5e: {  	_ =	shalt  }
0x5f: {  	_ =	shalt  }
0x60: {  	_ =	shalt  }
0x61: {  	_ =	shalt  }
0x62: {  	_ =	shalt  }
0x63: {  	_ =	shalt  }
0x64: {  	_ =	shalt  }
0x65: {  	_ =	shalt  }
0x66: {  	_ =	shalt  }
0x67: {  	_ =	shalt  }
0x68: {  	_ =	shalt  }
0x69: {  	_ =	shalt  }
0x6a: {  	_ =	shalt  }
0x6b: {  	_ =	shalt  }
0x6c: {  	_ =	shalt  }
0x6d: {  	_ =	shalt  }
0x6e: {  	_ =	shalt  }
0x6f: {  	_ =	shalt  }
0x70: {  	_ =	shalt  }
0x71: {  	_ =	shalt  }
0x72: {  	_ =	shalt  }
0x73: {  	_ =	shalt  }
0x74: {  	_ =	shalt  }
0x75: {  	_ =	shalt  }
0x76: {  	_ =	shalt  }
0x77: {  	_ =	shalt  }
0x78: {  	_ =	shalt  }
0x79: {  	_ =	shalt  }
0x7a: {  	_ =	shalt  }
0x7b: {  	_ =	shalt  }
0x7c: {  	_ =	shalt  }
0x7d: {  	_ =	shalt  }
0x7e: {  	_ =	shalt  }
0x7f: {  	_ =	shalt  }
0x80: {  	_ =	shalt  }
0x81: {  	_ =	shalt  }
0x82: {  	_ =	shalt  }
0x83: {  	_ =	shalt  }
0x84: {  	_ =	shalt  }
0x85: {  	_ =	shalt  }
0x86: {  	_ =	shalt  }
0x87: {  	_ =	shalt  }
.Lfunc_end0:
.L_simem_size_0:
called_computation.1_lowered:
.L_overlay_start_0:
0x88: {  	s2 =	sld [smem:$0x3FD9]  }
0x89: {  	s3 =	sld [smem:$0x3FFE];
	_ =	sdelay $0x1  }
0x8a: {  	s1 =	srdreg.scid  }
0x8b: {  	s0 =	sand.u32 $0x1, s1  }
0x8c: {  	s17 =	sshll.u32 s0, $0xA;
	s2 =	sadd.s32 s3, s2  }
0x8d: {  	s2 =	sadd.s32 s2, s17  }
0x8e: {  	[smem:$0x3FC2] =	sst s2  }
0x8f: {  	_ = 	snop  }
0x90: {  	s2 =	sld [smem:$0x3FD0];
	(tm) =	ssettm $0x1  }
0x91: {  	s18 =	sld [smem:$0x3FFB];
	_ =	sdelay $0x3  }
0x92: {  	_ =	strace s18  }
0x93: {  	s3 =	sld [smem:$0x3FFC];
	_ =	sdelay $0x3  }
0x94: {  	_ =	strace s3  }
0x95: {  	s3 =	sld [smem:$0x3FFD];
	_ =	sdelay $0x3  }
0x96: {  	_ =	strace s3  }
0x97: {  	_ =	strace $0x8FFFFFFF  }
0x98: {  	s19 =	sld [smem:$0x3FDB];
	_ =	sdelay $0x1  }
0x99: {  	s4 =	simm.s32 $_scs_section_size  }
0x9a: {  	s5 =	simm.s32 $_size__tile_overlayer_lowered;
	s6 =	simm.s32 $_tile_overlayer_lowered  }
0x9b: {  	s22 =	simm.s32 $0x1BFF;
	s21 =	sshll.u32 s6, $0x1;
	s3 =	sadd.s32 s4, s19  }
0x9c: {  	s7 =	simm.s32 $0x0;
	s20 =	sshll.u32 s5, $0x1;
	s5 =	sadd.s32 s21, s3  }
0x9d: {  	[timem:s7], [sflag:s22] =	dma.local [hbm:s5], s20  }
0x9e: {  	_ =	swait.ge [sflag:s22], s20  }
0x9f: {  	s4 =	ssub.s32 $0x0, s20;
	[sflag:s22] =	ssyncset.done $0x0  }
0xa0: {  	[sflag:s22] =	ssyncadd.s32 s4;
	_ =	sdelay $0x1  }
0xa1: {  	s23 =	simm.s32 $0x1B8B  }
0xa2: {  	_ =	swait.ge [sflag:s23], $0x1  }
0xa3: {  	[sflag:s23] =	ssyncset.done $0x0  }
0xa4: {  	s25 =	simm.s32 $0x1B8E;
	s24 =	sld [smem:$0x3FFE];
	[sflag:s23] =	ssyncadd.s32 $0xFFFFFFFF  }
0xa5: {  	s26 =	simm.s32 $execute0_lowered;
	[smem:$0x3FD2] =	sst s25  }
0xa6: {  	s5 =	sshll.u32 s26, $0x1;
	_ =	strace $0x80000049;
	[dreg:$0x1] =	wrdreg $0xFFFFFFFF  }
0xa7: {  	s28 =	simm.s32 $_size_execute0_lowered;
	s3 =	sadd.s32 s3, s5;
	[dreg:$0x0] =	wrdreg $0x0  }
0xa8: {  	s5 =	sshll.u32 s28, $0x1;
	[dreg:$0x2] =	wrdreg s3  }
0xa9: {  	[dreg:$0x3] =	wrdreg s5  }
0xaa: {  	[dreg:$0x4] =	wrdreg $0xC0  }
0xab: {  	_ =	task [dreg:s7], $0x5FFFF  }
0xac: {  	[dreg:$0x1] =	wrdreg $0xFFFFFFFF  }
0xad: {  	[dreg:$0x0] =	wrdreg $0x60  }
0xae: {  	[dreg:$0x2] =	wrdreg s24  }
0xaf: {  	[dreg:$0x3] =	wrdreg s2  }
0xb0: {  	[dreg:$0x4] =	wrdreg $0x51000  }
0xb1: {  	[dreg:$0x5] =	wrdreg $0x9  }
0xb2: {  	_ =	task.clear_ibuf [dreg:s7], $0x6FFFF;
	_ =	strace $0x90000049  }
0xb3: {  	s29 =	simm.s32 $0x9;
	_ =	strace $0x8000004B  }
0xb4: {  	_ =	swait.ge [sflag:s29], $0x1  }
0xb5: {  	[sflag:s29] =	ssyncadd.s32 $0xFFFFFFFF  }
0xb6: {  	_ =	strace $0x9000004B  }
0xb7: {  	_ =	sfence  }
0xb8: {  	s30 =	sld [smem:$0x0];
	_ =	sdelay $0x2  }
0xb9: {  	s31 =	sshll.u32 s1, $0xD;
	s1 =	sshrl.u32 s1, $0x2  }
0xba: {  	s3 =	sand.u32 $0x4000, s31;
	s1 =	sadd.s32 s1, s30  }
0xbb: {  	s0 =	sor.u32 s3, s0;
	s1 =	sshll.u32 s1, $0x11  }
0xbc: {  	s0 =	sor.u32 s1, s0  }
0xbd: {  	s0 =	sadd.s32 $0x8F2B, s0  }
0xbe: {  	[sflag:s0] =	ssyncadd.remote.s32 $0x1  }
0xbf: {  	_ =	sfence.sel $0xFFFF  }
0xc0: {  	[dreg:$0x0] =	wrdreg $0xFFFFFFFF;
	(pc) =	sbr.abs _section_cstart, $3  }
0xc1: {  	[dreg:$0x1] =	wrdreg $0xFFFFFFFF  }
0xc2: {  	_ =	task.clear_ibuf [dreg:s7], $0x2FFFF;
	_ =	strace $0x9FFFFFFF  }
0xc3: {  	(tm) =	ssettm $0x7FFFFFFF  }
tec
execute0_lowered:
.L_overlay_start_1:
0x0: {  	(tag) =	ssettag $0x1  }
0x1: {  	s0 =	rddreg [dreg:$0x0]  }
0x2: {  	s5 =	rddreg [dreg:$0x1]  }
0x3: {  	s1 =	rddreg [dreg:$0x2];
	s2 =	simm.s32 $0x0  }
0x4: {  	s3 =	srdreg.scid;
	s7 =	sadd.s32 $0x759600, s0;
	s9 =	sadd.s32 $0x9CA600, s0  }
0x5: {  	s11 =	sand.u32 $0x1, s3;
	s12 =	sadd.s32 $0xC3B600, s0;
	s3 =	stileid.u32  }
0x6: {  	[smem:$0x7FF] =	sst s2;
	s13 =	sadd.s32 $0xEAC600, s0;
	s10 =	smul.u32 $0x2710, s3  }
0x7: {  	s14 =	sadd.s32 $0x1600, s0;
	s22 =	sadd.s32 $0x24900, s5;
	s16 =	smul.u32 $0x27100, s3  }
0x8: {  	s4 =	ssub.s32 $0x2, s11;
	s19 =	smul.u32 $0x4E000, s3;
	p0 =	sne.s32 s11, $0x0  }
0x9: {  	p1 =	seq.s32 s3, $0xF;
	s11 =	simm.s32 $0x1;
	s6 =	sshrl.u32 s4, $0x1  }
0xa: {  	s15 =	ssub.s32 s4, s6;
	s17 =	sshrl.u32 s10, $0x3;
	s25 =	sadd.s32 $0x50, s10  }
0xb: {  	s4 =	sadd.s32 s9, s16;
	s26 =	sadd.s32 $0x26C0, s10;
	s10 =	sadd.s32 s12, s16  }
0xc: {  	s23 =	sshrl.u32 s19, $0x2;
	s18 =	sshrl.u32 s25, $0x3;
	s20 =	sshll.u32 s25, $0x4  }
0xd: {  	s29 =	sshll.u32 s26, $0x4;
	s30 =	sshrl.u32 s26, $0x3;
	s6 =	sadd.s32 s9, s20  }
0xe: {  	s26 =	sadd.s32 $0x6600, s0;
	s8 =	sadd.s32 s7, s20;
	[dreg:$0x4] =	wrdreg s6  }
0xf: {  	s21 =	sadd.s32 s13, s20;
	s28 =	sadd.s32 s12, s20;
	[dreg:$0x5] =	wrdreg s8  }
0x10: {  	s9 =	sadd.s32 s9, s29;
	s12 =	sadd.s32 s12, s29;
	[dreg:$0x6] =	wrdreg s21  }
0x11: {  	s20 =	sadd.s32 s23, s1;
	s23 =	simm.s32 $0x4;
	[dreg:$0x7] =	wrdreg s28  }
0x12: {  	s6 =	sadd.s32 s7, s16;
	s8 =	sadd.s32 s13, s16;
	[dreg:$0x8] =	wrdreg s9  }
0x13: {  	s7 =	sadd.s32 s7, s29;
	s9 =	sadd.s32 s13, s29;
	[dreg:$0xb] =	wrdreg s12  }
0x14: {  	s13 =	smul.u32 $0x4E2, s3;
	s16 =	sadd.s32 s14, s17;
	s17 =	sadd.s32 s14, s18  }
0x15: {  	s18 =	sadd.s32 s14, s30;
	s28 =	sadd.s32 $0x2D800, s0;
	[dreg:$0x9] =	wrdreg s7  }
0x16: {  	s29 =	sadd.s32 $0xA0500, s0;
	s30 =	smax.u32 s15, $0x1;
	[dreg:$0xa] =	wrdreg s9  }
0x17: {  	s12 =	simm.s32 $0x2;
	_ =	strace $0x8000004A;
	[dreg:$0xf] =	wrdreg s26  }
0x18: {  	s15 =	simm.s32 $0x3;
	s9 =	simm.s32 $0x2900;
	[dreg:$0x10] =	wrdreg s28  }
0x19: {  	s7 =	sadd.s32 s13, s14;
	s14 =	smul.u32 $0x2700, s3;
	[dreg:$0x11] =	wrdreg s29  }
0x1a: {  	[dreg:$0x13] =	wrdreg s30;
	s13 =	simm.s32 $0x50;
	s31 =	sadd.s32 $0x1E, s7  }
.Ltmp0:
0x1b: {  	s7 =	simm.s32 $0x80;
	s21 =	sadd.s32 s5, s14;
	(pc) =	sbr.rel .LBB2_1-.Ltmp0, $4  }
0x1c: {  	[dreg:$0xc] =	wrdreg s14;
	s24 =	sadd.s32 s14, s0;
	s0 =	sadd.s32 $0x79300, s0  }
0x1d: {  	s14 =	simm.s32 $0x5;
	s25 =	sadd.s32 $0x7BC00, s24;
	[dreg:$0x12] =	wrdreg s0  }
0x1e: {  	s5 =	sadd.s32 $0x54A00, s24;
	s0 =	sadd.s32 $0x124800, s1;
	[dreg:$0xd] =	wrdreg s25  }
0x1f: {  	s24 =	simm.s32 $0x0;
	[dreg:$0xe] =	wrdreg s5;
	s5 =	simm.s32 $0x100  }
.LBB2_16:
0x20: {  	[tilespmem:s9], [sflag:$0x4] =	stream.linear.gather [hbm4b:s30+s2], $0x2800, $0x38;
	[tilespmem:$0x18980] =	vst v63  }
0x21: {  	_ =	swait.ge [sflag:s11], $0x50  }
0x22: {  	[sflag:s11] =	ssyncset.done $0x0  }
0x23: {  	[sflag:s11] =	ssyncadd.s32 $0xFFFFFFB0  }
0x24: {  	_ =	swait.ge [sflag:s12], $0x2800  }
0x25: {  	[sflag:s12] =	ssyncset.done $0x0  }
0x26: {  	[sflag:s12] =	ssyncadd.s32 $0xFFFFD800  }
0x27: {  	[spmem:s1] =	stream.indirect.scatter.add.f32 [tilespmem:s5], [sflag:$0x5], $0x80, s2, s13, $0xb8;
	[tilespmem:$0x18980] =	vst v63  }
0x28: {  	_ =	swait.ge [sflag:s14], $0x2800  }
0x29: {  	[sflag:s14] =	ssyncset.done $0x0  }
0x2a: {  	[sflag:s14] =	ssyncadd.s32 $0xFFFFD800  }
0x2b: {  	[tilespmem:s2], [sflag:$0x1] =	stream.linear.gather [hbm4b:s18+s2], $0x50, $0x38;
	[tilespmem:$0x18980] =	vst v63  }
0x2c: {  	s3 =	rddreg [dreg:$0xa]  }
0x2d: {  	[tilespmem:s5], [sflag:$0x2] =	stream.linear.gather [hbm4b:s3+s2], $0x2800, $0x38;
	[tilespmem:$0x18980] =	vst v63  }
0x2e: {  	_ =	swait.ge [sflag:s15], $0x50  }
0x2f: {  	[sflag:s15] =	ssyncset.done $0x0  }
0x30: {  	[sflag:s15] =	ssyncadd.s32 $0xFFFFFFB0  }
0x31: {  	_ =	swait.ge [sflag:s23], $0x2800  }
0x32: {  	[sflag:s23] =	ssyncset.done $0x0  }
0x33: {  	[sflag:s23] =	ssyncadd.s32 $0xFFFFD800  }
0x34: {  	[spmem:s1] =	stream.indirect.scatter.add.f32 [tilespmem:s9], [sflag:$0x5], $0x80, s7, s13, $0xb8;
	[tilespmem:$0x18980] =	vst v63  }
0x35: {  	_ =	swait.ge [sflag:s14], $0x2800  }
0x36: {  	[sflag:s14] =	ssyncset.done $0x0  }
0x37: {  	[sflag:s14] =	ssyncadd.s32 $0xFFFFD800  }
0x38: {  	_ =	swait.ge [sflag:s11], $0x50  }
0x39: {  	[sflag:s11] =	ssyncset.done $0x0  }
0x3a: {  	[sflag:s11] =	ssyncadd.s32 $0xFFFFFFB0  }
0x3b: {  	_ =	swait.ge [sflag:s12], $0x2800  }
0x3c: {  	[sflag:s12] =	ssyncset.done $0x0  }
0x3d: {  	[sflag:s12] =	ssyncadd.s32 $0xFFFFD800  }
0x3e: {  	[spmem:s1] =	stream.indirect.scatter.add.f32 [tilespmem:s5], [sflag:$0x5], $0x80, s2, s13, $0xb8;
	[tilespmem:$0x18980] =	vst v63  }
0x3f: {  	_ =	swait.ge [sflag:s14], $0x2800  }
0x40: {  	[sflag:s14] =	ssyncset.done $0x0  }
0x41: {  	[sflag:s14] =	ssyncadd.s32 $0xFFFFD800  }
0x42: {  	[bflag:$0x0] =	sbarrier.arrive $0xFFFF  }
0x43: {  	s3 =	simm.s32 @p1 $0x1FC5;
	s19 =	rddreg [dreg:$0x11]  }
0x44: {  	[hbm:s19], [sflag:s3] =	dma.local @p1 [spmem:s25], $0x2800  }
0x45: {  	s3 =	simm.s32 @p1 $0x5  }
0x46: {  	_ =	swait.ge @p1 [sflag:s3], $0x2800  }
0x47: {  	[sflag:s3] =	ssyncset.done @p1 $0x0  }
0x48: {  	[sflag:s3] =	ssyncadd.s32 @p1 $0xFFFFD800;
	s3 =	rddreg [dreg:$0xd]  }
0x49: {  	[hbm:s3], [sflag:s28] =	dma.local @!p1 [spmem:s29], $0x2700  }
0x4a: {  	s3 =	simm.s32 @!p1 $0x5  }
0x4b: {  	_ =	swait.ge @!p1 [sflag:s3], $0x2700  }
0x4c: {  	[sflag:s3] =	ssyncset.done @!p1 $0x0  }
0x4d: {  	[sflag:s3] =	ssyncadd.s32 @!p1 $0xFFFFD900  }
.LBB2_17:
0x4e: {  	s24 =	sadd.s32 $0x1, s24;
	s3 =	rddreg [dreg:$0x13]  }
0x4f: {  	p2 =	sne.s32 s24, s3  }
.Ltmp1:
0x50: {  	_ = 	snop;
	(pc) =	sbr.rel @!p2 .LBB2_18-.Ltmp1, $2  }
0x51: {  	_ =	sdelay $0x1  }
0x52: {  	[bflag:$0x0] =	sbarrier.arrive $0xFFFF;
	_ =	sdelay $0x1  }
.LBB2_1:
0x53: {  	s25 =	sshrl.u32 @p1 s0, $0x3;
	s19 =	simm.s32 @p1 $0x1FC5  }
0x54: {  	[spmem:s25], [sflag:s19] =	dma.local @p1 [hbm:s22], $0x2800  }
0x55: {  	s19 =	simm.s32 @p1 $0x5  }
0x56: {  	s3 =	stileid.u32;
	_ =	swait.ge @p1 [sflag:s19], $0x2800  }
0x57: {  	s29 =	sshrl.u32 @!p1 s20, $0x3;
	s26 =	sshll.u32 @!p1 s3, $0x6;
	[sflag:s19] =	ssyncset.done @p1 $0x0  }
0x58: {  	s28 =	sor.u32 @!p1 $0x1C05, s26;
	[sflag:s19] =	ssyncadd.s32 @p1 $0xFFFFD800;
	s19 =	simm.s32 @!p1 $0x5  }
0x59: {  	[spmem:s29], [sflag:s28] =	dma.local @!p1 [hbm:s21], $0x2700  }
.Ltmp2:
0x5a: {  	_ =	swait.ge @!p1 [sflag:s19], $0x2700;
	(pc) =	sbr.rel @p0 .LBB2_6-.Ltmp2, $4  }
0x5b: {  	[sflag:s19] =	ssyncset.done @!p1 $0x0  }
0x5c: {  	[sflag:s19] =	ssyncadd.s32 @!p1 $0xFFFFD900  }
0x5d: {  	[bflag:$0x0] =	sbarrier.arrive $0xFFFF  }
0x5e: {  	[tilespmem:s2], [sflag:$0x1] =	stream.linear.gather [hbm4b:s16+s2], $0x50, $0x38;
	[tilespmem:$0x18980] =	vst v63  }
0x5f: {  	s19 =	simm.s32 $0x0  }
0x60: {  	[tilespmem:s5], [sflag:$0x2] =	stream.linear.gather [hbm4b:s6+s19], $0x2800, $0x38;
	[tilespmem:$0x18980] =	vst v63  }
0x61: {  	_ = 	snop  }
0x62: {  	[tilespmem:s7], [sflag:$0x3] =	stream.linear.gather [hbm4b:s17+s19], $0x50, $0x38;
	[tilespmem:$0x18980] =	vst v63  }
0x63: {  	s3 =	rddreg [dreg:$0x5]  }
0x64: {  	[tilespmem:s9], [sflag:$0x4] =	stream.linear.gather [hbm4b:s3+s19], $0x2800, $0x38;
	[tilespmem:$0x18980] =	vst v63  }
0x65: {  	_ =	swait.ge [sflag:s11], $0x50  }
0x66: {  	[sflag:s11] =	ssyncset.done $0x0  }
0x67: {  	[sflag:s11] =	ssyncadd.s32 $0xFFFFFFB0  }
0x68: {  	_ =	swait.ge [sflag:s12], $0x2800  }
0x69: {  	[sflag:s12] =	ssyncset.done $0x0  }
0x6a: {  	[sflag:s12] =	ssyncadd.s32 $0xFFFFD800  }
0x6b: {  	[spmem:s1] =	stream.indirect.scatter.add.f32 [tilespmem:s5], [sflag:$0x5], $0x80, s2, s13, $0xb8;
	[tilespmem:$0x18980] =	vst v63  }
0x6c: {  	_ =	swait.ge [sflag:s14], $0x2800  }
0x6d: {  	[sflag:s14] =	ssyncset.done $0x0  }
0x6e: {  	s30 =	sadd.s32 $0x0, s6;
	s3 =	sadd.s32 $0xFFFFFFF6, s31;
	[sflag:s14] =	ssyncadd.s32 $0xFFFFD800  }
0x6f: {  	[tilespmem:s2], [sflag:$0x1] =	stream.linear.gather [hbm4b:s3+s2], $0x50, $0x38;
	[tilespmem:$0x18980] =	vst v63  }
0x70: {  	s26 =	sadd.s32 $0xA00, s30  }
0x71: {  	[tilespmem:s5], [sflag:$0x2] =	stream.linear.gather [hbm4b:s26+s2], $0x2800, $0x38;
	[tilespmem:$0x18980] =	vst v63  }
0x72: {  	_ =	swait.ge [sflag:s15], $0x50  }
0x73: {  	[sflag:s15] =	ssyncset.done $0x0  }
0x74: {  	[sflag:s15] =	ssyncadd.s32 $0xFFFFFFB0  }
0x75: {  	_ =	swait.ge [sflag:s23], $0x2800  }
0x76: {  	[sflag:s23] =	ssyncset.done $0x0  }
0x77: {  	[sflag:s23] =	ssyncadd.s32 $0xFFFFD800  }
0x78: {  	[spmem:s1] =	stream.indirect.scatter.add.f32 [tilespmem:s9], [sflag:$0x5], $0x80, s7, s13, $0xb8;
	[tilespmem:$0x18980] =	vst v63  }
0x79: {  	_ =	swait.ge [sflag:s14], $0x2800  }
0x7a: {  	s30 =	sadd.s32 $0xF00, s30;
	[sflag:s14] =	ssyncset.done $0x0  }
0x7b: {  	s19 =	sadd.s32 $0x14, s31;
	s26 =	simm.s32 $0xA00;
	[sflag:s14] =	ssyncadd.s32 $0xFFFFD800  }
0x7c: {  	[tilespmem:s7], [sflag:$0x3] =	stream.linear.gather [hbm4b:s31+s2], $0x50, $0x38;
	[tilespmem:$0x18980] =	vst v63  }
.LBB2_3:
0x7d: {  	[tilespmem:s9], [sflag:$0x4] =	stream.linear.gather [hbm4b:s30+s2], $0x2800, $0x38;
	[tilespmem:$0x18980] =	vst v63  }
0x7e: {  	s30 =	smov.u32 s26  }
0x7f: {  	p2 =	sne.s32 s26, $0x25800;
	s26 =	sadd.s32 $0xA00, s26;
	_ =	swait.ge [sflag:s11], $0x50  }
0x80: {  	[sflag:s11] =	ssyncset.done $0x0  }
0x81: {  	[sflag:s11] =	ssyncadd.s32 $0xFFFFFFB0  }
0x82: {  	_ =	swait.ge [sflag:s12], $0x2800  }
0x83: {  	[sflag:s12] =	ssyncset.done $0x0  }
0x84: {  	[sflag:s12] =	ssyncadd.s32 $0xFFFFD800  }
0x85: {  	[spmem:s1] =	stream.indirect.scatter.add.f32 [tilespmem:s5], [sflag:$0x5], $0x80, s2, s13, $0xb8;
	[tilespmem:$0x18980] =	vst v63  }
0x86: {  	_ =	swait.ge [sflag:s14], $0x2800  }
0x87: {  	[sflag:s14] =	ssyncset.done $0x0  }
0x88: {  	s3 =	sadd.s32 $0xFFFFFFF6, s19;
	s30 =	sadd.s32 s30, s6;
	[sflag:s14] =	ssyncadd.s32 $0xFFFFD800  }
0x89: {  	[tilespmem:s2], [sflag:$0x1] =	stream.linear.gather [hbm4b:s3+s2], $0x50, $0x38;
	[tilespmem:$0x18980] =	vst v63  }
0x8a: {  	s3 =	sadd.s32 $0xA00, s30  }
0x8b: {  	[tilespmem:s5], [sflag:$0x2] =	stream.linear.gather [hbm4b:s3+s2], $0x2800, $0x38;
	[tilespmem:$0x18980] =	vst v63  }
0x8c: {  	_ =	swait.ge [sflag:s15], $0x50  }
0x8d: {  	[sflag:s15] =	ssyncset.done $0x0  }
0x8e: {  	[sflag:s15] =	ssyncadd.s32 $0xFFFFFFB0  }
0x8f: {  	_ =	swait.ge [sflag:s23], $0x2800  }
0x90: {  	[sflag:s23] =	ssyncset.done $0x0  }
0x91: {  	[sflag:s23] =	ssyncadd.s32 $0xFFFFD800  }
0x92: {  	[spmem:s1] =	stream.indirect.scatter.add.f32 [tilespmem:s9], [sflag:$0x5], $0x80, s7, s13, $0xb8;
	[tilespmem:$0x18980] =	vst v63  }
.Ltmp3:
0x93: {  	_ =	swait.ge [sflag:s14], $0x2800;
	(pc) =	sbr.rel @p2 .LBB2_3-.Ltmp3, $4  }
0x94: {  	[sflag:s14] =	ssyncset.done $0x0  }
0x95: {  	[sflag:s14] =	ssyncadd.s32 $0xFFFFD800  }
0x96: {  	[tilespmem:s7], [sflag:$0x3] =	stream.linear.gather [hbm4b:s19+s2], $0x50, $0x38;
	[tilespmem:$0x18980] =	vst v63  }
0x97: {  	s30 =	sadd.s32 $0xF00, s30;
	s19 =	sadd.s32 $0x14, s19  }
0x98: {  	[tilespmem:s9], [sflag:$0x4] =	stream.linear.gather [hbm4b:s30+s2], $0x2800, $0x38;
	[tilespmem:$0x18980] =	vst v63  }
0x99: {  	_ =	swait.ge [sflag:s11], $0x50  }
0x9a: {  	[sflag:s11] =	ssyncset.done $0x0  }
0x9b: {  	[sflag:s11] =	ssyncadd.s32 $0xFFFFFFB0  }
0x9c: {  	_ =	swait.ge [sflag:s12], $0x2800  }
0x9d: {  	[sflag:s12] =	ssyncset.done $0x0  }
0x9e: {  	[sflag:s12] =	ssyncadd.s32 $0xFFFFD800  }
0x9f: {  	[spmem:s1] =	stream.indirect.scatter.add.f32 [tilespmem:s5], [sflag:$0x5], $0x80, s2, s13, $0xb8;
	[tilespmem:$0x18980] =	vst v63  }
0xa0: {  	_ =	swait.ge [sflag:s14], $0x2800  }
0xa1: {  	[sflag:s14] =	ssyncset.done $0x0  }
0xa2: {  	[sflag:s14] =	ssyncadd.s32 $0xFFFFD800  }
0xa3: {  	[tilespmem:s2], [sflag:$0x1] =	stream.linear.gather [hbm4b:s18+s2], $0x50, $0x38;
	[tilespmem:$0x18980] =	vst v63  }
0xa4: {  	s3 =	rddreg [dreg:$0x9]  }
0xa5: {  	[tilespmem:s5], [sflag:$0x2] =	stream.linear.gather [hbm4b:s3+s2], $0x2800, $0x38;
	[tilespmem:$0x18980] =	vst v63  }
0xa6: {  	_ =	swait.ge [sflag:s15], $0x50  }
0xa7: {  	[sflag:s15] =	ssyncset.done $0x0  }
0xa8: {  	[sflag:s15] =	ssyncadd.s32 $0xFFFFFFB0  }
0xa9: {  	_ =	swait.ge [sflag:s23], $0x2800  }
0xaa: {  	[sflag:s23] =	ssyncset.done $0x0  }
0xab: {  	[sflag:s23] =	ssyncadd.s32 $0xFFFFD800  }
0xac: {  	[spmem:s1] =	stream.indirect.scatter.add.f32 [tilespmem:s9], [sflag:$0x5], $0x80, s7, s13, $0xb8;
	[tilespmem:$0x18980] =	vst v63  }
0xad: {  	_ =	swait.ge [sflag:s14], $0x2800  }
0xae: {  	[sflag:s14] =	ssyncset.done $0x0  }
0xaf: {  	[sflag:s14] =	ssyncadd.s32 $0xFFFFD800  }
0xb0: {  	_ =	swait.ge [sflag:s11], $0x50  }
0xb1: {  	[sflag:s11] =	ssyncset.done $0x0  }
0xb2: {  	[sflag:s11] =	ssyncadd.s32 $0xFFFFFFB0  }
0xb3: {  	_ =	swait.ge [sflag:s12], $0x2800  }
0xb4: {  	[sflag:s12] =	ssyncset.done $0x0  }
0xb5: {  	[sflag:s12] =	ssyncadd.s32 $0xFFFFD800  }
0xb6: {  	[spmem:s1] =	stream.indirect.scatter.add.f32 [tilespmem:s5], [sflag:$0x5], $0x80, s2, s13, $0xb8;
	[tilespmem:$0x18980] =	vst v63  }
.Ltmp4:
0xb7: {  	_ =	swait.ge [sflag:s14], $0x2800;
	(pc) =	sbr.rel @!p1 .LBB2_9-.Ltmp4, $4  }
0xb8: {  	[sflag:s14] =	ssyncset.done $0x0  }
0xb9: {  	[sflag:s14] =	ssyncadd.s32 $0xFFFFD800  }
0xba: {  	[bflag:$0x0] =	sbarrier.arrive $0xFFFF  }
0xbb: {  	s19 =	rddreg [dreg:$0xf]  }
.LBB2_5:
0xbc: {  	s3 =	sadd.s32 $0x24900, s19;
	s19 =	sshrl.u32 s0, $0x3;
	s26 =	simm.s32 $0x1FC5  }
0xbd: {  	[hbm:s3], [sflag:s26] =	dma.local [spmem:s19], $0x2800  }
0xbe: {  	_ =	swait.ge [sflag:s14], $0x2800  }
0xbf: {  	s30 =	stileid.u32;
	[sflag:s14] =	ssyncset.done $0x0  }
0xc0: {  	s3 =	sshll.u32 s30, $0x6;
	[sflag:s14] =	ssyncadd.s32 $0xFFFFD800  }
.Ltmp5:
0xc1: {  	s3 =	sor.u32 $0x1C05, s3;
	[bflag:$0x0] =	sbarrier.arrive $0xFFFF;
	(pc) =	sbr.rel .LBB2_10-.Ltmp5, $4  }
0xc2: {  	[spmem:s19], [sflag:s3] =	dma.local [hbm:s22], $0x2800  }
0xc3: {  	_ =	swait.ge [sflag:s14], $0x2800  }
0xc4: {  	[sflag:s14] =	ssyncset.done $0x0  }
0xc5: {  	[sflag:s14] =	ssyncadd.s32 $0xFFFFD800  }
.LBB2_6:
0xc6: {  	s3 =	simm.s32 $0x0  }
0xc7: {  	[tilespmem:s5], [sflag:$0x2] =	stream.linear.gather [hbm4b:s4+s3], $0x2800, $0x38;
	[tilespmem:$0x18980] =	vst v63  }
0xc8: {  	_ = 	snop  }
0xc9: {  	[tilespmem:s7], [sflag:$0x3] =	stream.linear.gather [hbm4b:s17+s3], $0x50, $0x38;
	[tilespmem:$0x18980] =	vst v63  }
0xca: {  	s19 =	rddreg [dreg:$0x4]  }
0xcb: {  	[tilespmem:s9], [sflag:$0x4] =	stream.linear.gather [hbm4b:s19+s3], $0x2800, $0x38;
	[tilespmem:$0x18980] =	vst v63  }
0xcc: {  	_ =	swait.ge [sflag:s11], $0x50  }
0xcd: {  	[sflag:s11] =	ssyncset.done $0x0  }
0xce: {  	[sflag:s11] =	ssyncadd.s32 $0xFFFFFFB0  }
0xcf: {  	_ =	swait.ge [sflag:s12], $0x2800  }
0xd0: {  	[sflag:s12] =	ssyncset.done $0x0  }
0xd1: {  	[sflag:s12] =	ssyncadd.s32 $0xFFFFD800  }
0xd2: {  	[spmem:s1] =	stream.indirect.scatter.add.f32 [tilespmem:s5], [sflag:$0x5], $0x80, s2, s13, $0xb8;
	[tilespmem:$0x18980] =	vst v63  }
0xd3: {  	_ =	swait.ge [sflag:s14], $0x2800  }
0xd4: {  	[sflag:s14] =	ssyncset.done $0x0  }
0xd5: {  	s26 =	sadd.s32 $0xFFFFFFF6, s31;
	s19 =	sadd.s32 $0x0, s4;
	[sflag:s14] =	ssyncadd.s32 $0xFFFFD800  }
0xd6: {  	[tilespmem:s2], [sflag:$0x1] =	stream.linear.gather [hbm4b:s26+s2], $0x50, $0x38;
	[tilespmem:$0x18980] =	vst v63  }
0xd7: {  	s26 =	sadd.s32 $0xA00, s19  }
0xd8: {  	[tilespmem:s5], [sflag:$0x2] =	stream.linear.gather [hbm4b:s26+s2], $0x2800, $0x38;
	[tilespmem:$0x18980] =	vst v63  }
0xd9: {  	_ =	swait.ge [sflag:s15], $0x50  }
0xda: {  	[sflag:s15] =	ssyncset.done $0x0  }
0xdb: {  	[sflag:s15] =	ssyncadd.s32 $0xFFFFFFB0  }
0xdc: {  	_ =	swait.ge [sflag:s23], $0x2800  }
0xdd: {  	[sflag:s23] =	ssyncset.done $0x0  }
0xde: {  	[sflag:s23] =	ssyncadd.s32 $0xFFFFD800  }
0xdf: {  	[spmem:s1] =	stream.indirect.scatter.add.f32 [tilespmem:s9], [sflag:$0x5], $0x80, s7, s13, $0xb8;
	[tilespmem:$0x18980] =	vst v63  }
0xe0: {  	_ =	swait.ge [sflag:s14], $0x2800  }
0xe1: {  	s30 =	sadd.s32 $0xF00, s19;
	[sflag:s14] =	ssyncset.done $0x0  }
0xe2: {  	s19 =	sadd.s32 $0x14, s31;
	s26 =	simm.s32 $0xA00;
	[sflag:s14] =	ssyncadd.s32 $0xFFFFD800  }
0xe3: {  	[tilespmem:s7], [sflag:$0x3] =	stream.linear.gather [hbm4b:s31+s2], $0x50, $0x38;
	[tilespmem:$0x18980] =	vst v63  }
.LBB2_7:
0xe4: {  	[tilespmem:s9], [sflag:$0x4] =	stream.linear.gather [hbm4b:s30+s2], $0x2800, $0x38;
	[tilespmem:$0x18980] =	vst v63  }
0xe5: {  	s3 =	smov.u32 s26  }
0xe6: {  	p2 =	sne.s32 s26, $0x25800;
	s26 =	sadd.s32 $0xA00, s26;
	_ =	swait.ge [sflag:s11], $0x50  }
0xe7: {  	[sflag:s11] =	ssyncset.done $0x0  }
0xe8: {  	[sflag:s11] =	ssyncadd.s32 $0xFFFFFFB0  }
0xe9: {  	_ =	swait.ge [sflag:s12], $0x2800  }
0xea: {  	[sflag:s12] =	ssyncset.done $0x0  }
0xeb: {  	[sflag:s12] =	ssyncadd.s32 $0xFFFFD800  }
0xec: {  	[spmem:s1] =	stream.indirect.scatter.add.f32 [tilespmem:s5], [sflag:$0x5], $0x80, s2, s13, $0xb8;
	[tilespmem:$0x18980] =	vst v63  }
0xed: {  	_ =	swait.ge [sflag:s14], $0x2800  }
0xee: {  	[sflag:s14] =	ssyncset.done $0x0  }
0xef: {  	s30 =	sadd.s32 $0xFFFFFFF6, s19;
	s3 =	sadd.s32 s3, s4;
	[sflag:s14] =	ssyncadd.s32 $0xFFFFD800  }
0xf0: {  	[tilespmem:s2], [sflag:$0x1] =	stream.linear.gather [hbm4b:s30+s2], $0x50, $0x38;
	[tilespmem:$0x18980] =	vst v63  }
0xf1: {  	s30 =	sadd.s32 $0xA00, s3  }
0xf2: {  	[tilespmem:s5], [sflag:$0x2] =	stream.linear.gather [hbm4b:s30+s2], $0x2800, $0x38;
	[tilespmem:$0x18980] =	vst v63  }
0xf3: {  	_ =	swait.ge [sflag:s15], $0x50  }
0xf4: {  	[sflag:s15] =	ssyncset.done $0x0  }
0xf5: {  	[sflag:s15] =	ssyncadd.s32 $0xFFFFFFB0  }
0xf6: {  	_ =	swait.ge [sflag:s23], $0x2800  }
0xf7: {  	[sflag:s23] =	ssyncset.done $0x0  }
0xf8: {  	[sflag:s23] =	ssyncadd.s32 $0xFFFFD800  }
0xf9: {  	[spmem:s1] =	stream.indirect.scatter.add.f32 [tilespmem:s9], [sflag:$0x5], $0x80, s7, s13, $0xb8;
	[tilespmem:$0x18980] =	vst v63  }
.Ltmp6:
0xfa: {  	_ =	swait.ge [sflag:s14], $0x2800;
	(pc) =	sbr.rel @p2 .LBB2_7-.Ltmp6, $4  }
0xfb: {  	[sflag:s14] =	ssyncset.done $0x0  }
0xfc: {  	[sflag:s14] =	ssyncadd.s32 $0xFFFFD800  }
0xfd: {  	[tilespmem:s7], [sflag:$0x3] =	stream.linear.gather [hbm4b:s19+s2], $0x50, $0x38;
	[tilespmem:$0x18980] =	vst v63  }
0xfe: {  	s30 =	sadd.s32 $0xF00, s3;
	s19 =	sadd.s32 $0x14, s19  }
0xff: {  	[tilespmem:s9], [sflag:$0x4] =	stream.linear.gather [hbm4b:s30+s2], $0x2800, $0x38;
	[tilespmem:$0x18980] =	vst v63  }
0x100: {  	_ =	swait.ge [sflag:s11], $0x50  }
0x101: {  	[sflag:s11] =	ssyncset.done $0x0  }
0x102: {  	[sflag:s11] =	ssyncadd.s32 $0xFFFFFFB0  }
0x103: {  	_ =	swait.ge [sflag:s12], $0x2800  }
0x104: {  	[sflag:s12] =	ssyncset.done $0x0  }
0x105: {  	[sflag:s12] =	ssyncadd.s32 $0xFFFFD800  }
0x106: {  	[spmem:s1] =	stream.indirect.scatter.add.f32 [tilespmem:s5], [sflag:$0x5], $0x80, s2, s13, $0xb8;
	[tilespmem:$0x18980] =	vst v63  }
0x107: {  	_ =	swait.ge [sflag:s14], $0x2800  }
0x108: {  	[sflag:s14] =	ssyncset.done $0x0  }
0x109: {  	[sflag:s14] =	ssyncadd.s32 $0xFFFFD800  }
0x10a: {  	[tilespmem:s2], [sflag:$0x1] =	stream.linear.gather [hbm4b:s18+s2], $0x50, $0x38;
	[tilespmem:$0x18980] =	vst v63  }
0x10b: {  	s3 =	rddreg [dreg:$0x8]  }
0x10c: {  	[tilespmem:s5], [sflag:$0x2] =	stream.linear.gather [hbm4b:s3+s2], $0x2800, $0x38;
	[tilespmem:$0x18980] =	vst v63  }
0x10d: {  	_ =	swait.ge [sflag:s15], $0x50  }
0x10e: {  	[sflag:s15] =	ssyncset.done $0x0  }
0x10f: {  	[sflag:s15] =	ssyncadd.s32 $0xFFFFFFB0  }
0x110: {  	_ =	swait.ge [sflag:s23], $0x2800  }
0x111: {  	[sflag:s23] =	ssyncset.done $0x0  }
0x112: {  	[sflag:s23] =	ssyncadd.s32 $0xFFFFD800  }
0x113: {  	[spmem:s1] =	stream.indirect.scatter.add.f32 [tilespmem:s9], [sflag:$0x5], $0x80, s7, s13, $0xb8;
	[tilespmem:$0x18980] =	vst v63  }
0x114: {  	_ =	swait.ge [sflag:s14], $0x2800  }
0x115: {  	[sflag:s14] =	ssyncset.done $0x0  }
0x116: {  	[sflag:s14] =	ssyncadd.s32 $0xFFFFD800  }
0x117: {  	_ =	swait.ge [sflag:s11], $0x50  }
0x118: {  	[sflag:s11] =	ssyncset.done $0x0  }
0x119: {  	[sflag:s11] =	ssyncadd.s32 $0xFFFFFFB0  }
0x11a: {  	_ =	swait.ge [sflag:s12], $0x2800  }
0x11b: {  	[sflag:s12] =	ssyncset.done $0x0  }
0x11c: {  	[sflag:s12] =	ssyncadd.s32 $0xFFFFD800  }
0x11d: {  	[spmem:s1] =	stream.indirect.scatter.add.f32 [tilespmem:s5], [sflag:$0x5], $0x80, s2, s13, $0xb8;
	[tilespmem:$0x18980] =	vst v63  }
.Ltmp7:
0x11e: {  	_ =	swait.ge [sflag:s14], $0x2800;
	(pc) =	sbr.rel @p1 .LBB2_5-.Ltmp7, $4  }
0x11f: {  	[sflag:s14] =	ssyncset.done $0x0  }
0x120: {  	[sflag:s14] =	ssyncadd.s32 $0xFFFFD800  }
0x121: {  	[bflag:$0x0] =	sbarrier.arrive $0xFFFF  }
0x122: {  	s19 =	rddreg [dreg:$0x10]  }
.LBB2_9:
0x123: {  	s3 =	stileid.u32  }
0x124: {  	s26 =	rddreg [dreg:$0xc];
	s3 =	sshll.u32 s3, $0x6  }
0x125: {  	s30 =	sshrl.u32 s20, $0x3;
	s19 =	sadd.s32 s19, s26;
	s3 =	sor.u32 $0x1C05, s3  }
0x126: {  	[hbm:s19], [sflag:s3] =	dma.local [spmem:s30], $0x2700  }
0x127: {  	_ =	swait.ge [sflag:s14], $0x2700  }
0x128: {  	[sflag:s14] =	ssyncset.done $0x0  }
0x129: {  	[sflag:s14] =	ssyncadd.s32 $0xFFFFD900  }
0x12a: {  	[bflag:$0x0] =	sbarrier.arrive $0xFFFF  }
0x12b: {  	[spmem:s30], [sflag:s3] =	dma.local [hbm:s21], $0x2700  }
0x12c: {  	_ =	swait.ge [sflag:s14], $0x2700  }
0x12d: {  	[sflag:s14] =	ssyncset.done $0x0  }
0x12e: {  	[sflag:s14] =	ssyncadd.s32 $0xFFFFD900  }
.LBB2_10:
.Ltmp8:
0x12f: {  	(pc) =	sbr.rel @p0 .LBB2_14-.Ltmp8, $3  }
0x130: {  	_ =	sdelay $0x1  }
0x131: {  	[bflag:$0x0] =	sbarrier.arrive $0xFFFF;
	s3 =	simm.s32 $0x0  }
0x132: {  	[tilespmem:s2], [sflag:$0x1] =	stream.linear.gather [hbm4b:s16+s2], $0x50, $0x38;
	[tilespmem:$0x18980] =	vst v63  }
0x133: {  	[tilespmem:s5], [sflag:$0x2] =	stream.linear.gather [hbm4b:s10+s3], $0x2800, $0x38;
	[tilespmem:$0x18980] =	vst v63  }
0x134: {  	_ = 	snop  }
0x135: {  	[tilespmem:s7], [sflag:$0x3] =	stream.linear.gather [hbm4b:s17+s3], $0x50, $0x38;
	[tilespmem:$0x18980] =	vst v63  }
0x136: {  	s19 =	rddreg [dreg:$0x7]  }
0x137: {  	[tilespmem:s9], [sflag:$0x4] =	stream.linear.gather [hbm4b:s19+s3], $0x2800, $0x38;
	[tilespmem:$0x18980] =	vst v63  }
0x138: {  	_ =	swait.ge [sflag:s11], $0x50  }
0x139: {  	[sflag:s11] =	ssyncset.done $0x0  }
0x13a: {  	[sflag:s11] =	ssyncadd.s32 $0xFFFFFFB0  }
0x13b: {  	_ =	swait.ge [sflag:s12], $0x2800  }
0x13c: {  	[sflag:s12] =	ssyncset.done $0x0  }
0x13d: {  	[sflag:s12] =	ssyncadd.s32 $0xFFFFD800  }
0x13e: {  	[spmem:s1] =	stream.indirect.scatter.add.f32 [tilespmem:s5], [sflag:$0x5], $0x80, s2, s13, $0xb8;
	[tilespmem:$0x18980] =	vst v63  }
0x13f: {  	_ =	swait.ge [sflag:s14], $0x2800  }
0x140: {  	[sflag:s14] =	ssyncset.done $0x0  }
0x141: {  	s26 =	sadd.s32 $0xFFFFFFF6, s31;
	s19 =	sadd.s32 $0x0, s10;
	[sflag:s14] =	ssyncadd.s32 $0xFFFFD800  }
0x142: {  	[tilespmem:s2], [sflag:$0x1] =	stream.linear.gather [hbm4b:s26+s2], $0x50, $0x38;
	[tilespmem:$0x18980] =	vst v63  }
0x143: {  	s26 =	sadd.s32 $0xA00, s19  }
0x144: {  	[tilespmem:s5], [sflag:$0x2] =	stream.linear.gather [hbm4b:s26+s2], $0x2800, $0x38;
	[tilespmem:$0x18980] =	vst v63  }
0x145: {  	_ =	swait.ge [sflag:s15], $0x50  }
0x146: {  	[sflag:s15] =	ssyncset.done $0x0  }
0x147: {  	[sflag:s15] =	ssyncadd.s32 $0xFFFFFFB0  }
0x148: {  	_ =	swait.ge [sflag:s23], $0x2800  }
0x149: {  	[sflag:s23] =	ssyncset.done $0x0  }
0x14a: {  	[sflag:s23] =	ssyncadd.s32 $0xFFFFD800  }
0x14b: {  	[spmem:s1] =	stream.indirect.scatter.add.f32 [tilespmem:s9], [sflag:$0x5], $0x80, s7, s13, $0xb8;
	[tilespmem:$0x18980] =	vst v63  }
0x14c: {  	_ =	swait.ge [sflag:s14], $0x2800  }
0x14d: {  	s30 =	sadd.s32 $0xF00, s19;
	[sflag:s14] =	ssyncset.done $0x0  }
0x14e: {  	s19 =	sadd.s32 $0x14, s31;
	s26 =	simm.s32 $0xA00;
	[sflag:s14] =	ssyncadd.s32 $0xFFFFD800  }
0x14f: {  	[tilespmem:s7], [sflag:$0x3] =	stream.linear.gather [hbm4b:s31+s2], $0x50, $0x38;
	[tilespmem:$0x18980] =	vst v63  }
.LBB2_12:
0x150: {  	[tilespmem:s9], [sflag:$0x4] =	stream.linear.gather [hbm4b:s30+s2], $0x2800, $0x38;
	[tilespmem:$0x18980] =	vst v63  }
0x151: {  	s3 =	smov.u32 s26  }
0x152: {  	p2 =	sne.s32 s26, $0x25800;
	s26 =	sadd.s32 $0xA00, s26;
	_ =	swait.ge [sflag:s11], $0x50  }
0x153: {  	[sflag:s11] =	ssyncset.done $0x0  }
0x154: {  	[sflag:s11] =	ssyncadd.s32 $0xFFFFFFB0  }
0x155: {  	_ =	swait.ge [sflag:s12], $0x2800  }
0x156: {  	[sflag:s12] =	ssyncset.done $0x0  }
0x157: {  	[sflag:s12] =	ssyncadd.s32 $0xFFFFD800  }
0x158: {  	[spmem:s1] =	stream.indirect.scatter.add.f32 [tilespmem:s5], [sflag:$0x5], $0x80, s2, s13, $0xb8;
	[tilespmem:$0x18980] =	vst v63  }
0x159: {  	_ =	swait.ge [sflag:s14], $0x2800  }
0x15a: {  	[sflag:s14] =	ssyncset.done $0x0  }
0x15b: {  	s30 =	sadd.s32 $0xFFFFFFF6, s19;
	s3 =	sadd.s32 s3, s10;
	[sflag:s14] =	ssyncadd.s32 $0xFFFFD800  }
0x15c: {  	[tilespmem:s2], [sflag:$0x1] =	stream.linear.gather [hbm4b:s30+s2], $0x50, $0x38;
	[tilespmem:$0x18980] =	vst v63  }
0x15d: {  	s30 =	sadd.s32 $0xA00, s3  }
0x15e: {  	[tilespmem:s5], [sflag:$0x2] =	stream.linear.gather [hbm4b:s30+s2], $0x2800, $0x38;
	[tilespmem:$0x18980] =	vst v63  }
0x15f: {  	_ =	swait.ge [sflag:s15], $0x50  }
0x160: {  	[sflag:s15] =	ssyncset.done $0x0  }
0x161: {  	[sflag:s15] =	ssyncadd.s32 $0xFFFFFFB0  }
0x162: {  	_ =	swait.ge [sflag:s23], $0x2800  }
0x163: {  	[sflag:s23] =	ssyncset.done $0x0  }
0x164: {  	[sflag:s23] =	ssyncadd.s32 $0xFFFFD800  }
0x165: {  	[spmem:s1] =	stream.indirect.scatter.add.f32 [tilespmem:s9], [sflag:$0x5], $0x80, s7, s13, $0xb8;
	[tilespmem:$0x18980] =	vst v63  }
.Ltmp9:
0x166: {  	_ =	swait.ge [sflag:s14], $0x2800;
	(pc) =	sbr.rel @p2 .LBB2_12-.Ltmp9, $4  }
0x167: {  	[sflag:s14] =	ssyncset.done $0x0  }
0x168: {  	[sflag:s14] =	ssyncadd.s32 $0xFFFFD800  }
0x169: {  	[tilespmem:s7], [sflag:$0x3] =	stream.linear.gather [hbm4b:s19+s2], $0x50, $0x38;
	[tilespmem:$0x18980] =	vst v63  }
0x16a: {  	s30 =	sadd.s32 $0xF00, s3;
	s19 =	sadd.s32 $0x14, s19  }
0x16b: {  	[tilespmem:s9], [sflag:$0x4] =	stream.linear.gather [hbm4b:s30+s2], $0x2800, $0x38;
	[tilespmem:$0x18980] =	vst v63  }
0x16c: {  	_ =	swait.ge [sflag:s11], $0x50  }
0x16d: {  	[sflag:s11] =	ssyncset.done $0x0  }
0x16e: {  	[sflag:s11] =	ssyncadd.s32 $0xFFFFFFB0  }
0x16f: {  	_ =	swait.ge [sflag:s12], $0x2800  }
0x170: {  	[sflag:s12] =	ssyncset.done $0x0  }
0x171: {  	[sflag:s12] =	ssyncadd.s32 $0xFFFFD800  }
0x172: {  	[spmem:s1] =	stream.indirect.scatter.add.f32 [tilespmem:s5], [sflag:$0x5], $0x80, s2, s13, $0xb8;
	[tilespmem:$0x18980] =	vst v63  }
0x173: {  	_ =	swait.ge [sflag:s14], $0x2800  }
0x174: {  	[sflag:s14] =	ssyncset.done $0x0  }
0x175: {  	[sflag:s14] =	ssyncadd.s32 $0xFFFFD800  }
0x176: {  	[tilespmem:s2], [sflag:$0x1] =	stream.linear.gather [hbm4b:s18+s2], $0x50, $0x38;
	[tilespmem:$0x18980] =	vst v63  }
0x177: {  	s3 =	rddreg [dreg:$0xb]  }
0x178: {  	[tilespmem:s5], [sflag:$0x2] =	stream.linear.gather [hbm4b:s3+s2], $0x2800, $0x38;
	[tilespmem:$0x18980] =	vst v63  }
0x179: {  	_ =	swait.ge [sflag:s15], $0x50  }
0x17a: {  	[sflag:s15] =	ssyncset.done $0x0  }
0x17b: {  	[sflag:s15] =	ssyncadd.s32 $0xFFFFFFB0  }
0x17c: {  	_ =	swait.ge [sflag:s23], $0x2800  }
0x17d: {  	[sflag:s23] =	ssyncset.done $0x0  }
0x17e: {  	[sflag:s23] =	ssyncadd.s32 $0xFFFFD800  }
0x17f: {  	[spmem:s1] =	stream.indirect.scatter.add.f32 [tilespmem:s9], [sflag:$0x5], $0x80, s7, s13, $0xb8;
	[tilespmem:$0x18980] =	vst v63  }
0x180: {  	_ =	swait.ge [sflag:s14], $0x2800  }
0x181: {  	[sflag:s14] =	ssyncset.done $0x0  }
0x182: {  	[sflag:s14] =	ssyncadd.s32 $0xFFFFD800  }
0x183: {  	_ =	swait.ge [sflag:s11], $0x50  }
0x184: {  	[sflag:s11] =	ssyncset.done $0x0  }
0x185: {  	[sflag:s11] =	ssyncadd.s32 $0xFFFFFFB0  }
0x186: {  	_ =	swait.ge [sflag:s12], $0x2800  }
0x187: {  	[sflag:s12] =	ssyncset.done $0x0  }
0x188: {  	[sflag:s12] =	ssyncadd.s32 $0xFFFFD800  }
0x189: {  	[spmem:s1] =	stream.indirect.scatter.add.f32 [tilespmem:s5], [sflag:$0x5], $0x80, s2, s13, $0xb8;
	[tilespmem:$0x18980] =	vst v63  }
0x18a: {  	_ =	swait.ge [sflag:s14], $0x2800  }
0x18b: {  	[sflag:s14] =	ssyncset.done $0x0  }
0x18c: {  	[sflag:s14] =	ssyncadd.s32 $0xFFFFD800  }
0x18d: {  	[bflag:$0x0] =	sbarrier.arrive $0xFFFF  }
0x18e: {  	s3 =	simm.s32 @p1 $0x1FC5;
	s19 =	rddreg [dreg:$0x12]  }
0x18f: {  	[hbm:s19], [sflag:s3] =	dma.local @p1 [spmem:s25], $0x2800  }
0x190: {  	s3 =	simm.s32 @p1 $0x5  }
0x191: {  	_ =	swait.ge @p1 [sflag:s3], $0x2800  }
0x192: {  	[sflag:s3] =	ssyncset.done @p1 $0x0  }
0x193: {  	[sflag:s3] =	ssyncadd.s32 @p1 $0xFFFFD800;
	s3 =	rddreg [dreg:$0xe]  }
0x194: {  	[hbm:s3], [sflag:s28] =	dma.local @!p1 [spmem:s29], $0x2700  }
.Ltmp10:
0x195: {  	_ = 	snop;
	(pc) =	sbr.rel .LBB2_17-.Ltmp10, $4  }
0x196: {  	s3 =	simm.s32 @!p1 $0x5  }
0x197: {  	_ =	swait.ge @!p1 [sflag:s3], $0x2700  }
0x198: {  	[sflag:s3] =	ssyncset.done @!p1 $0x0  }
0x199: {  	[sflag:s3] =	ssyncadd.s32 @!p1 $0xFFFFD900  }
.LBB2_14:
0x19a: {  	[tilespmem:s5], [sflag:$0x2] =	stream.linear.gather [hbm4b:s8+s3], $0x2800, $0x38;
	[tilespmem:$0x18980] =	vst v63  }
0x19b: {  	_ = 	snop  }
0x19c: {  	[tilespmem:s7], [sflag:$0x3] =	stream.linear.gather [hbm4b:s17+s3], $0x50, $0x38;
	[tilespmem:$0x18980] =	vst v63  }
0x19d: {  	s19 =	rddreg [dreg:$0x6]  }
0x19e: {  	[tilespmem:s9], [sflag:$0x4] =	stream.linear.gather [hbm4b:s19+s3], $0x2800, $0x38;
	[tilespmem:$0x18980] =	vst v63  }
0x19f: {  	_ =	swait.ge [sflag:s11], $0x50  }
0x1a0: {  	[sflag:s11] =	ssyncset.done $0x0  }
0x1a1: {  	[sflag:s11] =	ssyncadd.s32 $0xFFFFFFB0  }
0x1a2: {  	_ =	swait.ge [sflag:s12], $0x2800  }
0x1a3: {  	[sflag:s12] =	ssyncset.done $0x0  }
0x1a4: {  	[sflag:s12] =	ssyncadd.s32 $0xFFFFD800  }
0x1a5: {  	[spmem:s1] =	stream.indirect.scatter.add.f32 [tilespmem:s5], [sflag:$0x5], $0x80, s2, s13, $0xb8;
	[tilespmem:$0x18980] =	vst v63  }
0x1a6: {  	_ =	swait.ge [sflag:s14], $0x2800  }
0x1a7: {  	[sflag:s14] =	ssyncset.done $0x0  }
0x1a8: {  	s26 =	sadd.s32 $0xFFFFFFF6, s31;
	s19 =	sadd.s32 $0x0, s8;
	[sflag:s14] =	ssyncadd.s32 $0xFFFFD800  }
0x1a9: {  	[tilespmem:s2], [sflag:$0x1] =	stream.linear.gather [hbm4b:s26+s2], $0x50, $0x38;
	[tilespmem:$0x18980] =	vst v63  }
0x1aa: {  	s26 =	sadd.s32 $0xA00, s19  }
0x1ab: {  	[tilespmem:s5], [sflag:$0x2] =	stream.linear.gather [hbm4b:s26+s2], $0x2800, $0x38;
	[tilespmem:$0x18980] =	vst v63  }
0x1ac: {  	_ =	swait.ge [sflag:s15], $0x50  }
0x1ad: {  	[sflag:s15] =	ssyncset.done $0x0  }
0x1ae: {  	[sflag:s15] =	ssyncadd.s32 $0xFFFFFFB0  }
0x1af: {  	_ =	swait.ge [sflag:s23], $0x2800  }
0x1b0: {  	[sflag:s23] =	ssyncset.done $0x0  }
0x1b1: {  	[sflag:s23] =	ssyncadd.s32 $0xFFFFD800  }
0x1b2: {  	[spmem:s1] =	stream.indirect.scatter.add.f32 [tilespmem:s9], [sflag:$0x5], $0x80, s7, s13, $0xb8;
	[tilespmem:$0x18980] =	vst v63  }
0x1b3: {  	_ =	swait.ge [sflag:s14], $0x2800  }
0x1b4: {  	s30 =	sadd.s32 $0xF00, s19;
	[sflag:s14] =	ssyncset.done $0x0  }
0x1b5: {  	s19 =	sadd.s32 $0x14, s31;
	s26 =	simm.s32 $0xA00;
	[sflag:s14] =	ssyncadd.s32 $0xFFFFD800  }
0x1b6: {  	[tilespmem:s7], [sflag:$0x3] =	stream.linear.gather [hbm4b:s31+s2], $0x50, $0x38;
	[tilespmem:$0x18980] =	vst v63  }
.LBB2_15:
0x1b7: {  	[tilespmem:s9], [sflag:$0x4] =	stream.linear.gather [hbm4b:s30+s2], $0x2800, $0x38;
	[tilespmem:$0x18980] =	vst v63  }
0x1b8: {  	s3 =	smov.u32 s26  }
0x1b9: {  	p2 =	sne.s32 s26, $0x25800;
	s26 =	sadd.s32 $0xA00, s26;
	_ =	swait.ge [sflag:s11], $0x50  }
0x1ba: {  	[sflag:s11] =	ssyncset.done $0x0  }
0x1bb: {  	[sflag:s11] =	ssyncadd.s32 $0xFFFFFFB0  }
0x1bc: {  	_ =	swait.ge [sflag:s12], $0x2800  }
0x1bd: {  	[sflag:s12] =	ssyncset.done $0x0  }
0x1be: {  	[sflag:s12] =	ssyncadd.s32 $0xFFFFD800  }
0x1bf: {  	[spmem:s1] =	stream.indirect.scatter.add.f32 [tilespmem:s5], [sflag:$0x5], $0x80, s2, s13, $0xb8;
	[tilespmem:$0x18980] =	vst v63  }
0x1c0: {  	_ =	swait.ge [sflag:s14], $0x2800  }
0x1c1: {  	[sflag:s14] =	ssyncset.done $0x0  }
0x1c2: {  	s30 =	sadd.s32 $0xFFFFFFF6, s19;
	s3 =	sadd.s32 s3, s8;
	[sflag:s14] =	ssyncadd.s32 $0xFFFFD800  }
0x1c3: {  	[tilespmem:s2], [sflag:$0x1] =	stream.linear.gather [hbm4b:s30+s2], $0x50, $0x38;
	[tilespmem:$0x18980] =	vst v63  }
0x1c4: {  	s30 =	sadd.s32 $0xA00, s3  }
0x1c5: {  	[tilespmem:s5], [sflag:$0x2] =	stream.linear.gather [hbm4b:s30+s2], $0x2800, $0x38;
	[tilespmem:$0x18980] =	vst v63  }
0x1c6: {  	_ =	swait.ge [sflag:s15], $0x50  }
0x1c7: {  	[sflag:s15] =	ssyncset.done $0x0  }
0x1c8: {  	[sflag:s15] =	ssyncadd.s32 $0xFFFFFFB0  }
0x1c9: {  	_ =	swait.ge [sflag:s23], $0x2800  }
0x1ca: {  	[sflag:s23] =	ssyncset.done $0x0  }
0x1cb: {  	[sflag:s23] =	ssyncadd.s32 $0xFFFFD800  }
0x1cc: {  	[spmem:s1] =	stream.indirect.scatter.add.f32 [tilespmem:s9], [sflag:$0x5], $0x80, s7, s13, $0xb8;
	[tilespmem:$0x18980] =	vst v63  }
.Ltmp11:
0x1cd: {  	_ =	swait.ge [sflag:s14], $0x2800;
	(pc) =	sbr.rel @p2 .LBB2_15-.Ltmp11, $4  }
0x1ce: {  	[sflag:s14] =	ssyncset.done $0x0  }
0x1cf: {  	[sflag:s14] =	ssyncadd.s32 $0xFFFFD800  }
0x1d0: {  	[tilespmem:s7], [sflag:$0x3] =	stream.linear.gather [hbm4b:s19+s2], $0x50, $0x38;
	[tilespmem:$0x18980] =	vst v63  }
0x1d1: {  	s30 =	sadd.s32 $0xF00, s3;
	s19 =	sadd.s32 $0x14, s19  }
.Ltmp12:
0x1d2: {  	_ = 	snop;
	(pc) =	sbr.rel .LBB2_16-.Ltmp12, $1  }
0x1d3: {  	_ =	sdelay $0x3  }
.LBB2_18:
0x1d4: {  	_ =	sfence.sel $0x180000  }
0x1d5: {  	[bflag:$0x0] =	sbarrier.arrive $0xFFFF  }
0x1d6: {  	_ =	strace $0x9000004A  }
0x1d7: {  	s0 =	stileid.u32;
	[bflag:$0x2] =	sbarrier.arrive $0xFFFF  }
0x1d8: {  	p0 =	sne.s32 s0, $0x0;
	s0 =	rddreg [dreg:$0x3]  }
0x1d9: {  	s0 =	sadd.s32 @!p0 $0x100000, s0  }
0x1da: {  	[sflag:s0] =	ssyncadd.tile.s32 @!p0 $0x1;
	_ =	shalt  }
.Lfunc_end2:
_tile_overlayer_lowered:
.L_overlay_start_2:
0x1db: {  	(tag) =	ssettag $0x2  }
0x1dc: {  	s0 =	rddreg [dreg:$0x0];
	s2 =	stileid.u32  }
0x1dd: {  	s1 =	rddreg [dreg:$0x1];
	p0 =	sne.s32 s2, $0x0  }
0x1de: {  	s3 =	rddreg [dreg:$0x2];
	[bflag:$0x3] =	sbarrier.arrive $0xFFFF;
	s2 =	simm.s32 @!p0 $0x1C05  }
0x1df: {  	[timem:s3], [sflag:s2] =	dma.local @!p0 [hbm:s0], s1  }
0x1e0: {  	s0 =	simm.s32 @!p0 $0x5  }
0x1e1: {  	_ =	swait.ge @!p0 [sflag:s0], s1  }
0x1e2: {  	s1 =	ssub.s32 @!p0 $0x0, s1;
	[sflag:s0] =	ssyncset.done @!p0 $0x0  }
0x1e3: {  	[sflag:s0] =	ssyncadd.s32 @!p0 s1  }
0x1e4: {  	[bflag:$0x3] =	sbarrier.arrive $0xFFFF  }
0x1e5: {  	_ =	shalt  }

</sc_bundles>
